<compile_context>
chip_gen: v7x
topology: tpu7x:2x2x1
jax: 0.10.2.dev20260603
libtpu: 0.0.44.dev20260713+nightly
codegen_flags: <defaults>
</compile_context>

<pallas_src>
import functools

import jax
import jax.numpy as jnp
from jax import lax
from jax.experimental import pallas as pl
from jax.experimental.pallas import tpu as pltpu
from jax.experimental.pallas import tpu_sc as plsc

_EMBED = 128
_NAA = 22
_B = 4096 * 200


def _table_body(groups_ref, gemb_ref, aemb_ref, props_ref, w1_ref, b1_ref,
                w2_ref, b2_ref, wf_ref, bf_ref, gamma_ref, beta_ref,
                out_ref):
    hp = jax.lax.Precision.HIGHEST
    groups = jnp.broadcast_to(groups_ref[...], (8, _NAA))
    oh_t = (groups == lax.broadcasted_iota(jnp.int32, (8, _NAA), 0)
            ).astype(jnp.float32)
    gemb = jnp.concatenate(
        [gemb_ref[...], jnp.zeros((3, 64), jnp.float32)], axis=0)
    ge = lax.dot_general(oh_t, gemb, (((0,), (0,)), ((), ())),
                         precision=hp)
    h = jax.lax.dot(props_ref[...], w1_ref[...], precision=hp) + b1_ref[...]
    h = 0.5 * h * (1.0 + lax.erf(h * (2.0 ** -0.5)))
    pe = jax.lax.dot(h, w2_ref[...], precision=hp) + b2_ref[...]
    fused = (jax.lax.dot(ge, wf_ref[0:64], precision=hp)
             + jax.lax.dot(aemb_ref[...], wf_ref[64:128], precision=hp)
             + jax.lax.dot(pe, wf_ref[128:192], precision=hp)
             + bf_ref[...])
    mean = jnp.mean(fused, axis=-1, keepdims=True)
    var = jnp.mean((fused - mean) ** 2, axis=-1, keepdims=True)
    out_ref[...] = ((fused - mean) * lax.rsqrt(var + 1e-5)
                    * gamma_ref[...] + beta_ref[...])


def _build_table(groups, gemb, aemb, props, w1, b1, w2, b2, wf, bf,
                 gamma, beta):
    return pl.pallas_call(
        _table_body,
        out_shape=jax.ShapeDtypeStruct((_NAA, _EMBED), jnp.float32),
    )(groups, gemb, aemb, props, w1, b1, w2, b2, wf, bf, gamma, beta)


@functools.cache
def _make_gather():
    info = plsc.get_sparse_core_info()
    nw = info.num_cores * info.num_subcores
    b_per_w = _B // nw
    ch = 128
    k = 2
    n_ch = b_per_w // ch
    n_grp = n_ch // k
    mesh = plsc.VectorSubcoreMesh(core_axis_name="c", subcore_axis_name="s")

    @functools.partial(
        pl.kernel, mesh=mesh,
        out_type=jax.ShapeDtypeStruct((_B, _EMBED), jnp.float32),
        scratch_types=[
            pltpu.VMEM((n_ch, ch), jnp.int32),
            pltpu.VMEM((3, k * ch, _EMBED), jnp.float32),
            pltpu.VMEM_SHARED((_NAA, _EMBED), jnp.float32),
            pltpu.SemaphoreType.DMA,
            pltpu.SemaphoreType.DMA,
            pltpu.SemaphoreType.DMA,
            pltpu.SemaphoreType.DMA,
        ],
    )
    def gather(table_hbm, idx_hbm, out_hbm, idx_v, rows_v, table_v,
               gsem, wsem0, wsem1, wsem2):
        sid = lax.axis_index("s")
        wid = sid * info.num_cores + lax.axis_index("c")
        base = wid * b_per_w
        wsems = (wsem0, wsem1, wsem2)
        @pl.when(sid == 0)
        def _():
            pltpu.sync_copy(table_hbm, table_v)
        pltpu.sync_copy(idx_hbm.at[wid], idx_v)
        plsc.subcore_barrier()

        def start_gathers(g, p):
            for b in range(k):
                pltpu.async_copy(
                    table_v.at[idx_v.at[g * k + b]],
                    rows_v.at[p, pl.ds(b * ch, ch)], gsem)

        def wait_gathers(g, p):
            for b in range(k):
                pltpu.make_async_copy(
                    table_v.at[idx_v.at[g * k + b]],
                    rows_v.at[p, pl.ds(b * ch, ch)], gsem).wait()

        def start_write(g, p):
            pltpu.async_copy(
                rows_v.at[p],
                out_hbm.at[pl.ds(base + g * k * ch, k * ch)], wsems[p])

        def wait_write(g, p):
            pltpu.make_async_copy(
                rows_v.at[p],
                out_hbm.at[pl.ds(base + g * k * ch, k * ch)],
                wsems[p]).wait()

        start_gathers(0, 0)
        start_gathers(1, 1)

        def body(gg, carry):
            for j in range(3):
                g = 3 * gg + j
                wait_gathers(g, j)
                start_write(g, j)

                @pl.when(g + 2 < n_grp)
                def _():
                    @pl.when(g >= 1)
                    def _():
                        wait_write(g - 1, (j - 1) % 3)
                    start_gathers(g + 2, (j + 2) % 3)
            return carry

        lax.fori_loop(0, n_grp // 3, body, 0, unroll=False)
        gl = n_grp - 1
        wait_gathers(gl, gl % 3)
        start_write(gl, gl % 3)
        for g in range(n_grp - 3, n_grp):
            wait_write(g, g % 3)

    return gather, nw, n_ch, ch


def kernel(indices, group_emb, aa_emb, W1, b1, W2, b2, Wf, bf, gamma, beta,
           aa_properties, aa_groups):
    table = _build_table(aa_groups.astype(jnp.int32), group_emb, aa_emb,
                         aa_properties, W1, b1, W2, b2, Wf, bf, gamma, beta)
    gather, nw, n_ch, ch = _make_gather()
    idx = indices.astype(jnp.int32).reshape(nw, n_ch, ch)
    out = gather(table, idx)
    return out.reshape(indices.shape[0], indices.shape[1], _EMBED)

# --- scband reference (transcript-rebuilt; emitter-appended) ---
"""Pipeline reference for scband-five-adic-amino-acid-encoder-86526411145786 (READ-ONLY COPY).

The authoritative reference and input builder live on the scoring server;
editing this copy changes nothing except your own understanding.
"""

import jax, jax.numpy as jnp
import numpy as np

EMBED_DIM = 128
N_AA = 22

_PROPS_RAW = np.array([
    [1.8, 89, 6.01, 0.36], [-4.5, 174, 10.76, 0.53], [-3.5, 132, 5.41, 0.46],
    [-3.5, 133, 2.77, 0.51], [2.5, 121, 5.07, 0.35], [-3.5, 146, 5.65, 0.49],
    [-3.5, 147, 3.22, 0.50], [-0.4, 75, 5.97, 0.54], [-3.2, 155, 7.59, 0.32],
    [4.5, 131, 6.02, 0.46], [3.8, 131, 5.98, 0.40], [-3.9, 146, 9.74, 0.47],
    [1.9, 149, 5.74, 0.30], [2.8, 165, 5.48, 0.31], [-1.6, 115, 6.30, 0.51],
    [-0.8, 105, 5.68, 0.51], [-0.7, 119, 5.60, 0.44], [-0.9, 204, 5.89, 0.31],
    [-1.3, 181, 5.66, 0.42], [4.2, 117, 5.97, 0.39], [0.0, 0, 7.0, 0.50],
    [0.0, 100, 7.0, 0.50]], dtype=np.float32)
_PROPS = _PROPS_RAW / np.array([10.0, 250.0, 14.0, 1.0], dtype=np.float32)
# groups: 0=HYDROPHOBIC,1=POLAR,2=POSITIVE,3=NEGATIVE,4=SPECIAL for A R N D C Q E G H I L K M F P S T W Y V * X
_GROUPS = np.array([0, 2, 1, 3, 4, 1, 3, 4, 2, 0, 0, 2, 0, 0, 4, 1, 1, 0, 0, 0, 4, 4], dtype=np.int64)


def setup_inputs(seed: int = 0) -> dict:
    key = jax.random.key(seed)
    ks = jax.random.split(key, 12)
    half = EMBED_DIM // 2
    quarter = EMBED_DIM // 4
    indices = jax.random.randint(ks[0], (4096, 200), 0, N_AA, dtype=jnp.int64)
    group_emb = jax.random.normal(ks[1], (5, half), dtype=jnp.float32)
    aa_emb = jax.random.normal(ks[2], (N_AA, half), dtype=jnp.float32)
    W1 = jax.random.normal(ks[3], (4, quarter), dtype=jnp.float32) * 0.5
    b1 = jnp.zeros((quarter,), dtype=jnp.float32)
    W2 = jax.random.normal(ks[4], (quarter, half), dtype=jnp.float32) * (1.0 / np.sqrt(quarter))
    b2 = jnp.zeros((half,), dtype=jnp.float32)
    fusion_in = EMBED_DIM + half
    Wf = jax.random.normal(ks[5], (fusion_in, EMBED_DIM), dtype=jnp.float32) * (1.0 / np.sqrt(fusion_in))
    bf = jnp.zeros((EMBED_DIM,), dtype=jnp.float32)
    gamma = jnp.ones((EMBED_DIM,), dtype=jnp.float32)
    beta = jnp.zeros((EMBED_DIM,), dtype=jnp.float32)
    aa_properties = jnp.asarray(_PROPS)
    aa_groups = jnp.asarray(_GROUPS)
    return {
        'indices': indices, 'group_emb': group_emb, 'aa_emb': aa_emb,
        'W1': W1, 'b1': b1, 'W2': W2, 'b2': b2, 'Wf': Wf, 'bf': bf,
        'gamma': gamma, 'beta': beta, 'aa_properties': aa_properties,
        'aa_groups': aa_groups,
    }


def reference(indices, group_emb, aa_emb, W1, b1, W2, b2, Wf, bf, gamma, beta, aa_properties, aa_groups):
    groups = jnp.take(aa_groups, indices, axis=0)
    group_embed = jnp.take(group_emb, groups, axis=0)
    aa_embed = jnp.take(aa_emb, indices, axis=0)
    combined = jnp.concatenate([group_embed, aa_embed], axis=-1)
    props = jnp.take(aa_properties, indices, axis=0)
    h = jax.nn.gelu(props @ W1 + b1, approximate=False)
    prop_embed = h @ W2 + b2
    combined = jnp.concatenate([combined, prop_embed], axis=-1)
    fused = combined @ Wf + bf
    mean = jnp.mean(fused, axis=-1, keepdims=True)
    var = jnp.var(fused, axis=-1, keepdims=True)
    out = (fused - mean) / jnp.sqrt(var + 1e-5) * gamma + beta
    return out

if __name__ == "__main__":
    import jax
    _d = setup_inputs()
    print(jax.jit(kernel)(*tuple(_d.values())))

</pallas_src>

<mosaic_0001>
#map = affine_map<(d0, d1) -> (0, 0)>
#map1 = affine_map<(d0, d1) -> (0, 0, 0)>
module attributes {stable_mosaic.version = 14 : i64} {
  func.func @gather(%arg0: i32, %arg1: i32, %arg2: memref<22x128xf32, #tpu.memory_space<hbm>>, %arg3: memref<32x200x128xi32, #tpu.memory_space<hbm>>, %arg4: memref<819200x128xf32, #tpu.memory_space<hbm>>, %arg5: memref<200x128xi32, #tpu.memory_space<vmem>>, %arg6: memref<3x256x128xf32, #tpu.memory_space<vmem>>, %arg7: memref<22x128xf32, #tpu.memory_space<vmem_shared>>, %arg8: memref<!tpu.dma_semaphore, #tpu.memory_space<semaphore_mem>>, %arg9: memref<!tpu.dma_semaphore, #tpu.memory_space<semaphore_mem>>, %arg10: memref<!tpu.dma_semaphore, #tpu.memory_space<semaphore_mem>>, %arg11: memref<!tpu.dma_semaphore, #tpu.memory_space<semaphore_mem>>) attributes {dimension_semantics = [#tpu.dimension_semantics<core_parallel>, #tpu.dimension_semantics<subcore_parallel>], iteration_bounds = array<i64: 2, 16>, scalar_prefetch = 0 : i64, scratch_operands = 7 : i64, tpu.core_type = #tpu.core_type<sc_vector_subcore>, window_params = [{transform_indices = #map}, {transform_indices = #map1}, {transform_indices = #map}]} {
    %mul3A = arith.constant 2 : i32
    %mul3A_0 = arith.muli %arg1, %mul3A : i32
    %add3A = arith.addi %mul3A_0, %arg0 : i32
    %mul3A_1 = arith.constant 25600 : i32
    %mul3A_2 = arith.muli %add3A, %mul3A_1 : i32
    %eq3A = arith.constant 0 : i32
    %eq3A_3 = arith.cmpi eq, %arg1, %eq3A : i32
    %convert_element_type3A = arith.extui %eq3A_3 : i1 to i32
    %cond3A = arith.constant 0 : i32
    %cond3A_4 = arith.cmpi ne, %convert_element_type3A, %cond3A : i32
    scf.if %cond3A_4 {
      "tpu.region"() ({
        %run_scoped3A = tpu.sem_alloc : memref<!tpu.dma_semaphore, #tpu.memory_space<semaphore_mem>>
        tpu.enqueue_dma source(%arg2 : memref<22x128xf32, #tpu.memory_space<hbm>>) target(%arg7 : memref<22x128xf32, #tpu.memory_space<vmem_shared>>) target_semaphore(%run_scoped3A : memref<!tpu.dma_semaphore, #tpu.memory_space<semaphore_mem>>)
        tpu.wait_dma2 semaphore(%run_scoped3A : memref<!tpu.dma_semaphore, #tpu.memory_space<semaphore_mem>>) src(%arg2 : memref<22x128xf32, #tpu.memory_space<hbm>>) dst(%arg7 : memref<22x128xf32, #tpu.memory_space<vmem_shared>>)
        tpu.yield
      }) : () -> ()
    } else {
    }
    "tpu.region"() ({
      %run_scoped3A = tpu.sem_alloc : memref<!tpu.dma_semaphore, #tpu.memory_space<semaphore_mem>>
      %dma_start3A_140 = arith.constant 0 : i32
      %dma_start3A_141 = arith.constant 0 : i32
      %dma_start3A_142 = tpu.memref_slice %arg3[%add3A, %dma_start3A_140, %dma_start3A_141] : memref<32x200x128xi32, #tpu.memory_space<hbm>> -> memref<1x200x128xi32, #tpu.memory_space<hbm>>
      %dma_start3A_143 = tpu.memref_squeeze %dma_start3A_142 : memref<1x200x128xi32, #tpu.memory_space<hbm>> -> memref<200x128xi32, #tpu.memory_space<hbm>>
      %dma_start3A_144 = arith.constant 0 : i32
      %dma_start3A_145 = arith.constant 0 : i32
      %dma_start3A_146 = tpu.memref_slice %arg3[%add3A, %dma_start3A_144, %dma_start3A_145] : memref<32x200x128xi32, #tpu.memory_space<hbm>> -> memref<1x200x128xi32, #tpu.memory_space<hbm>>
      %dma_start3A_147 = tpu.memref_squeeze %dma_start3A_146 : memref<1x200x128xi32, #tpu.memory_space<hbm>> -> memref<200x128xi32, #tpu.memory_space<hbm>>
      tpu.enqueue_dma source(%dma_start3A_147 : memref<200x128xi32, #tpu.memory_space<hbm>>) target(%arg5 : memref<200x128xi32, #tpu.memory_space<vmem>>) target_semaphore(%run_scoped3A : memref<!tpu.dma_semaphore, #tpu.memory_space<semaphore_mem>>)
      %dma_wait3A_148 = arith.constant 0 : i32
      %dma_wait3A_149 = arith.constant 0 : i32
      %dma_wait3A_150 = tpu.memref_slice %arg3[%add3A, %dma_wait3A_148, %dma_wait3A_149] : memref<32x200x128xi32, #tpu.memory_space<hbm>> -> memref<1x200x128xi32, #tpu.memory_space<hbm>>
      %dma_wait3A_151 = tpu.memref_squeeze %dma_wait3A_150 : memref<1x200x128xi32, #tpu.memory_space<hbm>> -> memref<200x128xi32, #tpu.memory_space<hbm>>
      %dma_wait3A_152 = arith.constant 0 : i32
      %dma_wait3A_153 = arith.constant 0 : i32
      %dma_wait3A_154 = tpu.memref_slice %arg3[%add3A, %dma_wait3A_152, %dma_wait3A_153] : memref<32x200x128xi32, #tpu.memory_space<hbm>> -> memref<1x200x128xi32, #tpu.memory_space<hbm>>
      %dma_wait3A_155 = tpu.memref_squeeze %dma_wait3A_154 : memref<1x200x128xi32, #tpu.memory_space<hbm>> -> memref<200x128xi32, #tpu.memory_space<hbm>>
      tpu.wait_dma2 semaphore(%run_scoped3A : memref<!tpu.dma_semaphore, #tpu.memory_space<semaphore_mem>>) src(%dma_wait3A_155 : memref<200x128xi32, #tpu.memory_space<hbm>>) dst(%arg5 : memref<200x128xi32, #tpu.memory_space<vmem>>)
      tpu.yield
    }) : () -> ()
    %barrier3A = arith.constant 0 : index
    tpu.barrier barrier_id(%barrier3A)
    %dma_start3A = arith.constant 0 : i32
    %dma_start3A_5 = arith.constant 0 : i32
    %dma_start3A_6 = arith.constant 0 : i32
    %dma_start3A_7 = arith.constant 0 : i32
    %dma_start3A_8 = tpu.memref_slice %arg6[%dma_start3A_5, %dma_start3A_6, %dma_start3A_7] : memref<3x256x128xf32, #tpu.memory_space<vmem>> -> memref<1x128x128xf32, #tpu.memory_space<vmem>>
    %dma_start3A_9 = tpu.memref_squeeze %dma_start3A_8 : memref<1x128x128xf32, #tpu.memory_space<vmem>> -> memref<128x128xf32, #tpu.memory_space<vmem>>
    %dma_start3A_10 = arith.constant 0 : i32
    %dma_start3A_11 = tpu.memref_slice %arg5[%dma_start3A, %dma_start3A_10] : memref<200x128xi32, #tpu.memory_space<vmem>> -> memref<1x128xi32, #tpu.memory_space<vmem>>
    %dma_start3A_12 = tpu.memref_squeeze %dma_start3A_11 : memref<1x128xi32, #tpu.memory_space<vmem>> -> memref<128xi32, #tpu.memory_space<vmem>>
    %dma_start3A_13 = arith.constant 0 : i32
    %dma_start3A_14 = arith.constant 0 : i32
    %dma_start3A_15 = tpu.memref_slice %arg7[%dma_start3A_13, %dma_start3A_14] : memref<22x128xf32, #tpu.memory_space<vmem_shared>> -> memref<22x128xf32, #tpu.memory_space<vmem_shared>>
    tpu.enqueue_indirect_dma source(%dma_start3A_15 : memref<22x128xf32, #tpu.memory_space<vmem_shared>>) target(%dma_start3A_9 : memref<128x128xf32, #tpu.memory_space<vmem>>) offsets(%dma_start3A_12 : memref<128xi32, #tpu.memory_space<vmem>>) semaphore(%arg8 : memref<!tpu.dma_semaphore, #tpu.memory_space<semaphore_mem>>)
    %dma_start3A_16 = arith.constant 1 : i32
    %dma_start3A_17 = arith.constant 0 : i32
    %dma_start3A_18 = arith.constant 128 : i32
    %dma_start3A_19 = arith.constant 0 : i32
    %dma_start3A_20 = tpu.memref_slice %arg6[%dma_start3A_17, %dma_start3A_18, %dma_start3A_19] : memref<3x256x128xf32, #tpu.memory_space<vmem>> -> memref<1x128x128xf32, #tpu.memory_space<vmem>>
    %dma_start3A_21 = tpu.memref_squeeze %dma_start3A_20 : memref<1x128x128xf32, #tpu.memory_space<vmem>> -> memref<128x128xf32, #tpu.memory_space<vmem>>
    %dma_start3A_22 = arith.constant 0 : i32
    %dma_start3A_23 = tpu.memref_slice %arg5[%dma_start3A_16, %dma_start3A_22] : memref<200x128xi32, #tpu.memory_space<vmem>> -> memref<1x128xi32, #tpu.memory_space<vmem>>
    %dma_start3A_24 = tpu.memref_squeeze %dma_start3A_23 : memref<1x128xi32, #tpu.memory_space<vmem>> -> memref<128xi32, #tpu.memory_space<vmem>>
    %dma_start3A_25 = arith.constant 0 : i32
    %dma_start3A_26 = arith.constant 0 : i32
    %dma_start3A_27 = tpu.memref_slice %arg7[%dma_start3A_25, %dma_start3A_26] : memref<22x128xf32, #tpu.memory_space<vmem_shared>> -> memref<22x128xf32, #tpu.memory_space<vmem_shared>>
    tpu.enqueue_indirect_dma source(%dma_start3A_27 : memref<22x128xf32, #tpu.memory_space<vmem_shared>>) target(%dma_start3A_21 : memref<128x128xf32, #tpu.memory_space<vmem>>) offsets(%dma_start3A_24 : memref<128xi32, #tpu.memory_space<vmem>>) semaphore(%arg8 : memref<!tpu.dma_semaphore, #tpu.memory_space<semaphore_mem>>)
    %dma_start3A_28 = arith.constant 2 : i32
    %dma_start3A_29 = arith.constant 1 : i32
    %dma_start3A_30 = arith.constant 0 : i32
    %dma_start3A_31 = arith.constant 0 : i32
    %dma_start3A_32 = tpu.memref_slice %arg6[%dma_start3A_29, %dma_start3A_30, %dma_start3A_31] : memref<3x256x128xf32, #tpu.memory_space<vmem>> -> memref<1x128x128xf32, #tpu.memory_space<vmem>>
    %dma_start3A_33 = tpu.memref_squeeze %dma_start3A_32 : memref<1x128x128xf32, #tpu.memory_space<vmem>> -> memref<128x128xf32, #tpu.memory_space<vmem>>
    %dma_start3A_34 = arith.constant 0 : i32
    %dma_start3A_35 = tpu.memref_slice %arg5[%dma_start3A_28, %dma_start3A_34] : memref<200x128xi32, #tpu.memory_space<vmem>> -> memref<1x128xi32, #tpu.memory_space<vmem>>
    %dma_start3A_36 = tpu.memref_squeeze %dma_start3A_35 : memref<1x128xi32, #tpu.memory_space<vmem>> -> memref<128xi32, #tpu.memory_space<vmem>>
    %dma_start3A_37 = arith.constant 0 : i32
    %dma_start3A_38 = arith.constant 0 : i32
    %dma_start3A_39 = tpu.memref_slice %arg7[%dma_start3A_37, %dma_start3A_38] : memref<22x128xf32, #tpu.memory_space<vmem_shared>> -> memref<22x128xf32, #tpu.memory_space<vmem_shared>>
    tpu.enqueue_indirect_dma source(%dma_start3A_39 : memref<22x128xf32, #tpu.memory_space<vmem_shared>>) target(%dma_start3A_33 : memref<128x128xf32, #tpu.memory_space<vmem>>) offsets(%dma_start3A_36 : memref<128xi32, #tpu.memory_space<vmem>>) semaphore(%arg8 : memref<!tpu.dma_semaphore, #tpu.memory_space<semaphore_mem>>)
    %dma_start3A_40 = arith.constant 3 : i32
    %dma_start3A_41 = arith.constant 1 : i32
    %dma_start3A_42 = arith.constant 128 : i32
    %dma_start3A_43 = arith.constant 0 : i32
    %dma_start3A_44 = tpu.memref_slice %arg6[%dma_start3A_41, %dma_start3A_42, %dma_start3A_43] : memref<3x256x128xf32, #tpu.memory_space<vmem>> -> memref<1x128x128xf32, #tpu.memory_space<vmem>>
    %dma_start3A_45 = tpu.memref_squeeze %dma_start3A_44 : memref<1x128x128xf32, #tpu.memory_space<vmem>> -> memref<128x128xf32, #tpu.memory_space<vmem>>
    %dma_start3A_46 = arith.constant 0 : i32
    %dma_start3A_47 = tpu.memref_slice %arg5[%dma_start3A_40, %dma_start3A_46] : memref<200x128xi32, #tpu.memory_space<vmem>> -> memref<1x128xi32, #tpu.memory_space<vmem>>
    %dma_start3A_48 = tpu.memref_squeeze %dma_start3A_47 : memref<1x128xi32, #tpu.memory_space<vmem>> -> memref<128xi32, #tpu.memory_space<vmem>>
    %dma_start3A_49 = arith.constant 0 : i32
    %dma_start3A_50 = arith.constant 0 : i32
    %dma_start3A_51 = tpu.memref_slice %arg7[%dma_start3A_49, %dma_start3A_50] : memref<22x128xf32, #tpu.memory_space<vmem_shared>> -> memref<22x128xf32, #tpu.memory_space<vmem_shared>>
    tpu.enqueue_indirect_dma source(%dma_start3A_51 : memref<22x128xf32, #tpu.memory_space<vmem_shared>>) target(%dma_start3A_45 : memref<128x128xf32, #tpu.memory_space<vmem>>) offsets(%dma_start3A_48 : memref<128xi32, #tpu.memory_space<vmem>>) semaphore(%arg8 : memref<!tpu.dma_semaphore, #tpu.memory_space<semaphore_mem>>)
    %scan3A = arith.constant 0 : i32
    %scan3A_52 = arith.constant 0 : i32
    %scan3A_53 = arith.constant 33 : i32
    %scan3A_54 = arith.addi %scan3A_52, %scan3A_53 : i32
    %scan3A_55 = arith.constant 1 : i32
    scf.for %scan3A_140 = %scan3A_52 to %scan3A_54 step %scan3A_55  : i32 {
      %mul3A_141 = arith.constant 3 : i32
      %mul3A_142 = arith.muli %mul3A_141, %scan3A_140 : i32
      %add3A_143 = arith.constant 0 : i32
      %add3A_144 = arith.addi %mul3A_142, %add3A_143 : i32
      %mul3A_145 = arith.constant 2 : i32
      %mul3A_146 = arith.muli %add3A_144, %mul3A_145 : i32
      %add3A_147 = arith.constant 0 : i32
      %add3A_148 = arith.addi %mul3A_146, %add3A_147 : i32
      %dma_wait3A_149 = arith.constant 0 : i32
      %dma_wait3A_150 = arith.constant 0 : i32
      %dma_wait3A_151 = arith.constant 0 : i32
      %dma_wait3A_152 = tpu.memref_slice %arg6[%dma_wait3A_149, %dma_wait3A_150, %dma_wait3A_151] : memref<3x256x128xf32, #tpu.memory_space<vmem>> -> memref<1x128x128xf32, #tpu.memory_space<vmem>>
      %dma_wait3A_153 = tpu.memref_squeeze %dma_wait3A_152 : memref<1x128x128xf32, #tpu.memory_space<vmem>> -> memref<128x128xf32, #tpu.memory_space<vmem>>
      %dma_wait3A_154 = arith.constant 0 : i32
      %dma_wait3A_155 = tpu.memref_slice %arg5[%add3A_148, %dma_wait3A_154] : memref<200x128xi32, #tpu.memory_space<vmem>> -> memref<1x128xi32, #tpu.memory_space<vmem>>
      %dma_wait3A_156 = tpu.memref_squeeze %dma_wait3A_155 : memref<1x128xi32, #tpu.memory_space<vmem>> -> memref<128xi32, #tpu.memory_space<vmem>>
      %dma_wait3A_157 = arith.constant 0 : i32
      %dma_wait3A_158 = arith.constant 0 : i32
      %dma_wait3A_159 = tpu.memref_slice %arg7[%dma_wait3A_157, %dma_wait3A_158] : memref<22x128xf32, #tpu.memory_space<vmem_shared>> -> memref<22x128xf32, #tpu.memory_space<vmem_shared>>
      tpu.wait_indirect_dma semaphore(%arg8 : memref<!tpu.dma_semaphore, #tpu.memory_space<semaphore_mem>>) src(%dma_wait3A_159 : memref<22x128xf32, #tpu.memory_space<vmem_shared>>) dst(%dma_wait3A_153 : memref<128x128xf32, #tpu.memory_space<vmem>>)
      %mul3A_160 = arith.constant 2 : i32
      %mul3A_161 = arith.muli %add3A_144, %mul3A_160 : i32
      %add3A_162 = arith.constant 1 : i32
      %add3A_163 = arith.addi %mul3A_161, %add3A_162 : i32
      %dma_wait3A_164 = arith.constant 0 : i32
      %dma_wait3A_165 = arith.constant 128 : i32
      %dma_wait3A_166 = arith.constant 0 : i32
      %dma_wait3A_167 = tpu.memref_slice %arg6[%dma_wait3A_164, %dma_wait3A_165, %dma_wait3A_166] : memref<3x256x128xf32, #tpu.memory_space<vmem>> -> memref<1x128x128xf32, #tpu.memory_space<vmem>>
      %dma_wait3A_168 = tpu.memref_squeeze %dma_wait3A_167 : memref<1x128x128xf32, #tpu.memory_space<vmem>> -> memref<128x128xf32, #tpu.memory_space<vmem>>
      %dma_wait3A_169 = arith.constant 0 : i32
      %dma_wait3A_170 = tpu.memref_slice %arg5[%add3A_163, %dma_wait3A_169] : memref<200x128xi32, #tpu.memory_space<vmem>> -> memref<1x128xi32, #tpu.memory_space<vmem>>
      %dma_wait3A_171 = tpu.memref_squeeze %dma_wait3A_170 : memref<1x128xi32, #tpu.memory_space<vmem>> -> memref<128xi32, #tpu.memory_space<vmem>>
      %dma_wait3A_172 = arith.constant 0 : i32
      %dma_wait3A_173 = arith.constant 0 : i32
      %dma_wait3A_174 = tpu.memref_slice %arg7[%dma_wait3A_172, %dma_wait3A_173] : memref<22x128xf32, #tpu.memory_space<vmem_shared>> -> memref<22x128xf32, #tpu.memory_space<vmem_shared>>
      tpu.wait_indirect_dma semaphore(%arg8 : memref<!tpu.dma_semaphore, #tpu.memory_space<semaphore_mem>>) src(%dma_wait3A_174 : memref<22x128xf32, #tpu.memory_space<vmem_shared>>) dst(%dma_wait3A_168 : memref<128x128xf32, #tpu.memory_space<vmem>>)
      %mul3A_175 = arith.constant 2 : i32
      %mul3A_176 = arith.muli %add3A_144, %mul3A_175 : i32
      %mul3A_177 = arith.constant 128 : i32
      %mul3A_178 = arith.muli %mul3A_176, %mul3A_177 : i32
      %add3A_179 = arith.addi %mul3A_2, %mul3A_178 : i32
      %dma_start3A_180 = arith.constant 0 : i32
      %dma_start3A_181 = arith.constant 0 : i32
      %dma_start3A_182 = arith.constant 0 : i32
      %dma_start3A_183 = tpu.memref_slice %arg6[%dma_start3A_180, %dma_start3A_181, %dma_start3A_182] : memref<3x256x128xf32, #tpu.memory_space<vmem>> -> memref<1x256x128xf32, #tpu.memory_space<vmem>>
      %dma_start3A_184 = tpu.memref_squeeze %dma_start3A_183 : memref<1x256x128xf32, #tpu.memory_space<vmem>> -> memref<256x128xf32, #tpu.memory_space<vmem>>
      %dma_start3A_185 = arith.constant 0 : i32
      %dma_start3A_186 = tpu.memref_slice %arg4[%add3A_179, %dma_start3A_185] : memref<819200x128xf32, #tpu.memory_space<hbm>> -> memref<256x128xf32, #tpu.memory_space<hbm>>
      %dma_start3A_187 = arith.constant 0 : i32
      %dma_start3A_188 = tpu.memref_slice %arg4[%add3A_179, %dma_start3A_187] : memref<819200x128xf32, #tpu.memory_space<hbm>> -> memref<256x128xf32, #tpu.memory_space<hbm>>
      %dma_start3A_189 = arith.constant 0 : i32
      %dma_start3A_190 = arith.constant 0 : i32
      %dma_start3A_191 = tpu.memref_slice %arg6[%dma_start3A_180, %dma_start3A_189, %dma_start3A_190] : memref<3x256x128xf32, #tpu.memory_space<vmem>> -> memref<1x256x128xf32, #tpu.memory_space<vmem>>
      %dma_start3A_192 = tpu.memref_squeeze %dma_start3A_191 : memref<1x256x128xf32, #tpu.memory_space<vmem>> -> memref<256x128xf32, #tpu.memory_space<vmem>>
      tpu.enqueue_dma source(%dma_start3A_192 : memref<256x128xf32, #tpu.memory_space<vmem>>) target(%dma_start3A_188 : memref<256x128xf32, #tpu.memory_space<hbm>>) target_semaphore(%arg9 : memref<!tpu.dma_semaphore, #tpu.memory_space<semaphore_mem>>)
      %add3A_193 = arith.constant 2 : i32
      %add3A_194 = arith.addi %add3A_144, %add3A_193 : i32
      %lt3A = arith.constant 100 : i32
      %lt3A_195 = arith.cmpi slt, %add3A_194, %lt3A : i32
      %convert_element_type3A_196 = arith.extui %lt3A_195 : i1 to i32
      %cond3A_197 = arith.constant 0 : i32
      %cond3A_198 = arith.cmpi ne, %convert_element_type3A_196, %cond3A_197 : i32
      scf.if %cond3A_198 {
        %ge3A = arith.constant 1 : i32
        %ge3A_317 = arith.cmpi sge, %add3A_144, %ge3A : i32
        %convert_element_type3A_318 = arith.extui %ge3A_317 : i1 to i32
        %cond3A_319 = arith.constant 0 : i32
        %cond3A_320 = arith.cmpi ne, %convert_element_type3A_318, %cond3A_319 : i32
        scf.if %cond3A_320 {
          %sub3A = arith.constant 1 : i32
          %sub3A_353 = arith.subi %add3A_144, %sub3A : i32
          %mul3A_354 = arith.constant 2 : i32
          %mul3A_355 = arith.muli %sub3A_353, %mul3A_354 : i32
          %mul3A_356 = arith.constant 128 : i32
          %mul3A_357 = arith.muli %mul3A_355, %mul3A_356 : i32
          %add3A_358 = arith.addi %mul3A_2, %mul3A_357 : i32
          %dma_wait3A_359 = arith.constant 2 : i32
          %dma_wait3A_360 = arith.constant 0 : i32
          %dma_wait3A_361 = arith.constant 0 : i32
          %dma_wait3A_362 = tpu.memref_slice %arg6[%dma_wait3A_359, %dma_wait3A_360, %dma_wait3A_361] : memref<3x256x128xf32, #tpu.memory_space<vmem>> -> memref<1x256x128xf32, #tpu.memory_space<vmem>>
          %dma_wait3A_363 = tpu.memref_squeeze %dma_wait3A_362 : memref<1x256x128xf32, #tpu.memory_space<vmem>> -> memref<256x128xf32, #tpu.memory_space<vmem>>
          %dma_wait3A_364 = arith.constant 0 : i32
          %dma_wait3A_365 = tpu.memref_slice %arg4[%add3A_358, %dma_wait3A_364] : memref<819200x128xf32, #tpu.memory_space<hbm>> -> memref<256x128xf32, #tpu.memory_space<hbm>>
          %dma_wait3A_366 = arith.constant 0 : i32
          %dma_wait3A_367 = tpu.memref_slice %arg4[%add3A_358, %dma_wait3A_366] : memref<819200x128xf32, #tpu.memory_space<hbm>> -> memref<256x128xf32, #tpu.memory_space<hbm>>
          %dma_wait3A_368 = arith.constant 0 : i32
          %dma_wait3A_369 = arith.constant 0 : i32
          %dma_wait3A_370 = tpu.memref_slice %arg6[%dma_wait3A_359, %dma_wait3A_368, %dma_wait3A_369] : memref<3x256x128xf32, #tpu.memory_space<vmem>> -> memref<1x256x128xf32, #tpu.memory_space<vmem>>
          %dma_wait3A_371 = tpu.memref_squeeze %dma_wait3A_370 : memref<1x256x128xf32, #tpu.memory_space<vmem>> -> memref<256x128xf32, #tpu.memory_space<vmem>>
          tpu.wait_dma2 semaphore(%arg11 : memref<!tpu.dma_semaphore, #tpu.memory_space<semaphore_mem>>) src(%dma_wait3A_371 : memref<256x128xf32, #tpu.memory_space<vmem>>) dst(%dma_wait3A_367 : memref<256x128xf32, #tpu.memory_space<hbm>>)
        } else {
        }
        %add3A_321 = arith.constant 2 : i32
        %add3A_322 = arith.addi %add3A_144, %add3A_321 : i32
        %mul3A_323 = arith.constant 2 : i32
        %mul3A_324 = arith.muli %add3A_322, %mul3A_323 : i32
        %add3A_325 = arith.constant 0 : i32
        %add3A_326 = arith.addi %mul3A_324, %add3A_325 : i32
        %dma_start3A_327 = arith.constant 2 : i32
        %dma_start3A_328 = arith.constant 0 : i32
        %dma_start3A_329 = arith.constant 0 : i32
        %dma_start3A_330 = tpu.memref_slice %arg6[%dma_start3A_327, %dma_start3A_328, %dma_start3A_329] : memref<3x256x128xf32, #tpu.memory_space<vmem>> -> memref<1x128x128xf32, #tpu.memory_space<vmem>>
        %dma_start3A_331 = tpu.memref_squeeze %dma_start3A_330 : memref<1x128x128xf32, #tpu.memory_space<vmem>> -> memref<128x128xf32, #tpu.memory_space<vmem>>
        %dma_start3A_332 = arith.constant 0 : i32
        %dma_start3A_333 = tpu.memref_slice %arg5[%add3A_326, %dma_start3A_332] : memref<200x128xi32, #tpu.memory_space<vmem>> -> memref<1x128xi32, #tpu.memory_space<vmem>>
        %dma_start3A_334 = tpu.memref_squeeze %dma_start3A_333 : memref<1x128xi32, #tpu.memory_space<vmem>> -> memref<128xi32, #tpu.memory_space<vmem>>
        %dma_start3A_335 = arith.constant 0 : i32
        %dma_start3A_336 = arith.constant 0 : i32
        %dma_start3A_337 = tpu.memref_slice %arg7[%dma_start3A_335, %dma_start3A_336] : memref<22x128xf32, #tpu.memory_space<vmem_shared>> -> memref<22x128xf32, #tpu.memory_space<vmem_shared>>
        tpu.enqueue_indirect_dma source(%dma_start3A_337 : memref<22x128xf32, #tpu.memory_space<vmem_shared>>) target(%dma_start3A_331 : memref<128x128xf32, #tpu.memory_space<vmem>>) offsets(%dma_start3A_334 : memref<128xi32, #tpu.memory_space<vmem>>) semaphore(%arg8 : memref<!tpu.dma_semaphore, #tpu.memory_space<semaphore_mem>>)
        %mul3A_338 = arith.constant 2 : i32
        %mul3A_339 = arith.muli %add3A_322, %mul3A_338 : i32
        %add3A_340 = arith.constant 1 : i32
        %add3A_341 = arith.addi %mul3A_339, %add3A_340 : i32
        %dma_start3A_342 = arith.constant 2 : i32
        %dma_start3A_343 = arith.constant 128 : i32
        %dma_start3A_344 = arith.constant 0 : i32
        %dma_start3A_345 = tpu.memref_slice %arg6[%dma_start3A_342, %dma_start3A_343, %dma_start3A_344] : memref<3x256x128xf32, #tpu.memory_space<vmem>> -> memref<1x128x128xf32, #tpu.memory_space<vmem>>
        %dma_start3A_346 = tpu.memref_squeeze %dma_start3A_345 : memref<1x128x128xf32, #tpu.memory_space<vmem>> -> memref<128x128xf32, #tpu.memory_space<vmem>>
        %dma_start3A_347 = arith.constant 0 : i32
        %dma_start3A_348 = tpu.memref_slice %arg5[%add3A_341, %dma_start3A_347] : memref<200x128xi32, #tpu.memory_space<vmem>> -> memref<1x128xi32, #tpu.memory_space<vmem>>
        %dma_start3A_349 = tpu.memref_squeeze %dma_start3A_348 : memref<1x128xi32, #tpu.memory_space<vmem>> -> memref<128xi32, #tpu.memory_space<vmem>>
        %dma_start3A_350 = arith.constant 0 : i32
        %dma_start3A_351 = arith.constant 0 : i32
        %dma_start3A_352 = tpu.memref_slice %arg7[%dma_start3A_350, %dma_start3A_351] : memref<22x128xf32, #tpu.memory_space<vmem_shared>> -> memref<22x128xf32, #tpu.memory_space<vmem_shared>>
        tpu.enqueue_indirect_dma source(%dma_start3A_352 : memref<22x128xf32, #tpu.memory_space<vmem_shared>>) target(%dma_start3A_346 : memref<128x128xf32, #tpu.memory_space<vmem>>) offsets(%dma_start3A_349 : memref<128xi32, #tpu.memory_space<vmem>>) semaphore(%arg8 : memref<!tpu.dma_semaphore, #tpu.memory_space<semaphore_mem>>)
      } else {
      }
      %mul3A_199 = arith.constant 3 : i32
      %mul3A_200 = arith.muli %mul3A_199, %scan3A_140 : i32
      %add3A_201 = arith.constant 1 : i32
      %add3A_202 = arith.addi %mul3A_200, %add3A_201 : i32
      %mul3A_203 = arith.constant 2 : i32
      %mul3A_204 = arith.muli %add3A_202, %mul3A_203 : i32
      %add3A_205 = arith.constant 0 : i32
      %add3A_206 = arith.addi %mul3A_204, %add3A_205 : i32
      %dma_wait3A_207 = arith.constant 1 : i32
      %dma_wait3A_208 = arith.constant 0 : i32
      %dma_wait3A_209 = arith.constant 0 : i32
      %dma_wait3A_210 = tpu.memref_slice %arg6[%dma_wait3A_207, %dma_wait3A_208, %dma_wait3A_209] : memref<3x256x128xf32, #tpu.memory_space<vmem>> -> memref<1x128x128xf32, #tpu.memory_space<vmem>>
      %dma_wait3A_211 = tpu.memref_squeeze %dma_wait3A_210 : memref<1x128x128xf32, #tpu.memory_space<vmem>> -> memref<128x128xf32, #tpu.memory_space<vmem>>
      %dma_wait3A_212 = arith.constant 0 : i32
      %dma_wait3A_213 = tpu.memref_slice %arg5[%add3A_206, %dma_wait3A_212] : memref<200x128xi32, #tpu.memory_space<vmem>> -> memref<1x128xi32, #tpu.memory_space<vmem>>
      %dma_wait3A_214 = tpu.memref_squeeze %dma_wait3A_213 : memref<1x128xi32, #tpu.memory_space<vmem>> -> memref<128xi32, #tpu.memory_space<vmem>>
      %dma_wait3A_215 = arith.constant 0 : i32
      %dma_wait3A_216 = arith.constant 0 : i32
      %dma_wait3A_217 = tpu.memref_slice %arg7[%dma_wait3A_215, %dma_wait3A_216] : memref<22x128xf32, #tpu.memory_space<vmem_shared>> -> memref<22x128xf32, #tpu.memory_space<vmem_shared>>
      tpu.wait_indirect_dma semaphore(%arg8 : memref<!tpu.dma_semaphore, #tpu.memory_space<semaphore_mem>>) src(%dma_wait3A_217 : memref<22x128xf32, #tpu.memory_space<vmem_shared>>) dst(%dma_wait3A_211 : memref<128x128xf32, #tpu.memory_space<vmem>>)
      %mul3A_218 = arith.constant 2 : i32
      %mul3A_219 = arith.muli %add3A_202, %mul3A_218 : i32
      %add3A_220 = arith.constant 1 : i32
      %add3A_221 = arith.addi %mul3A_219, %add3A_220 : i32
      %dma_wait3A_222 = arith.constant 1 : i32
      %dma_wait3A_223 = arith.constant 128 : i32
      %dma_wait3A_224 = arith.constant 0 : i32
      %dma_wait3A_225 = tpu.memref_slice %arg6[%dma_wait3A_222, %dma_wait3A_223, %dma_wait3A_224] : memref<3x256x128xf32, #tpu.memory_space<vmem>> -> memref<1x128x128xf32, #tpu.memory_space<vmem>>
      %dma_wait3A_226 = tpu.memref_squeeze %dma_wait3A_225 : memref<1x128x128xf32, #tpu.memory_space<vmem>> -> memref<128x128xf32, #tpu.memory_space<vmem>>
      %dma_wait3A_227 = arith.constant 0 : i32
      %dma_wait3A_228 = tpu.memref_slice %arg5[%add3A_221, %dma_wait3A_227] : memref<200x128xi32, #tpu.memory_space<vmem>> -> memref<1x128xi32, #tpu.memory_space<vmem>>
      %dma_wait3A_229 = tpu.memref_squeeze %dma_wait3A_228 : memref<1x128xi32, #tpu.memory_space<vmem>> -> memref<128xi32, #tpu.memory_space<vmem>>
      %dma_wait3A_230 = arith.constant 0 : i32
      %dma_wait3A_231 = arith.constant 0 : i32
      %dma_wait3A_232 = tpu.memref_slice %arg7[%dma_wait3A_230, %dma_wait3A_231] : memref<22x128xf32, #tpu.memory_space<vmem_shared>> -> memref<22x128xf32, #tpu.memory_space<vmem_shared>>
      tpu.wait_indirect_dma semaphore(%arg8 : memref<!tpu.dma_semaphore, #tpu.memory_space<semaphore_mem>>) src(%dma_wait3A_232 : memref<22x128xf32, #tpu.memory_space<vmem_shared>>) dst(%dma_wait3A_226 : memref<128x128xf32, #tpu.memory_space<vmem>>)
      %mul3A_233 = arith.constant 2 : i32
      %mul3A_234 = arith.muli %add3A_202, %mul3A_233 : i32
      %mul3A_235 = arith.constant 128 : i32
      %mul3A_236 = arith.muli %mul3A_234, %mul3A_235 : i32
      %add3A_237 = arith.addi %mul3A_2, %mul3A_236 : i32
      %dma_start3A_238 = arith.constant 1 : i32
      %dma_start3A_239 = arith.constant 0 : i32
      %dma_start3A_240 = arith.constant 0 : i32
      %dma_start3A_241 = tpu.memref_slice %arg6[%dma_start3A_238, %dma_start3A_239, %dma_start3A_240] : memref<3x256x128xf32, #tpu.memory_space<vmem>> -> memref<1x256x128xf32, #tpu.memory_space<vmem>>
      %dma_start3A_242 = tpu.memref_squeeze %dma_start3A_241 : memref<1x256x128xf32, #tpu.memory_space<vmem>> -> memref<256x128xf32, #tpu.memory_space<vmem>>
      %dma_start3A_243 = arith.constant 0 : i32
      %dma_start3A_244 = tpu.memref_slice %arg4[%add3A_237, %dma_start3A_243] : memref<819200x128xf32, #tpu.memory_space<hbm>> -> memref<256x128xf32, #tpu.memory_space<hbm>>
      %dma_start3A_245 = arith.constant 0 : i32
      %dma_start3A_246 = tpu.memref_slice %arg4[%add3A_237, %dma_start3A_245] : memref<819200x128xf32, #tpu.memory_space<hbm>> -> memref<256x128xf32, #tpu.memory_space<hbm>>
      %dma_start3A_247 = arith.constant 0 : i32
      %dma_start3A_248 = arith.constant 0 : i32
      %dma_start3A_249 = tpu.memref_slice %arg6[%dma_start3A_238, %dma_start3A_247, %dma_start3A_248] : memref<3x256x128xf32, #tpu.memory_space<vmem>> -> memref<1x256x128xf32, #tpu.memory_space<vmem>>
      %dma_start3A_250 = tpu.memref_squeeze %dma_start3A_249 : memref<1x256x128xf32, #tpu.memory_space<vmem>> -> memref<256x128xf32, #tpu.memory_space<vmem>>
      tpu.enqueue_dma source(%dma_start3A_250 : memref<256x128xf32, #tpu.memory_space<vmem>>) target(%dma_start3A_246 : memref<256x128xf32, #tpu.memory_space<hbm>>) target_semaphore(%arg10 : memref<!tpu.dma_semaphore, #tpu.memory_space<semaphore_mem>>)
      %add3A_251 = arith.constant 2 : i32
      %add3A_252 = arith.addi %add3A_202, %add3A_251 : i32
      %lt3A_253 = arith.constant 100 : i32
      %lt3A_254 = arith.cmpi slt, %add3A_252, %lt3A_253 : i32
      %convert_element_type3A_255 = arith.extui %lt3A_254 : i1 to i32
      %cond3A_256 = arith.constant 0 : i32
      %cond3A_257 = arith.cmpi ne, %convert_element_type3A_255, %cond3A_256 : i32
      scf.if %cond3A_257 {
        %ge3A = arith.constant 1 : i32
        %ge3A_317 = arith.cmpi sge, %add3A_202, %ge3A : i32
        %convert_element_type3A_318 = arith.extui %ge3A_317 : i1 to i32
        %cond3A_319 = arith.constant 0 : i32
        %cond3A_320 = arith.cmpi ne, %convert_element_type3A_318, %cond3A_319 : i32
        scf.if %cond3A_320 {
          %sub3A = arith.constant 1 : i32
          %sub3A_353 = arith.subi %add3A_202, %sub3A : i32
          %mul3A_354 = arith.constant 2 : i32
          %mul3A_355 = arith.muli %sub3A_353, %mul3A_354 : i32
          %mul3A_356 = arith.constant 128 : i32
          %mul3A_357 = arith.muli %mul3A_355, %mul3A_356 : i32
          %add3A_358 = arith.addi %mul3A_2, %mul3A_357 : i32
          %dma_wait3A_359 = arith.constant 0 : i32
          %dma_wait3A_360 = arith.constant 0 : i32
          %dma_wait3A_361 = arith.constant 0 : i32
          %dma_wait3A_362 = tpu.memref_slice %arg6[%dma_wait3A_359, %dma_wait3A_360, %dma_wait3A_361] : memref<3x256x128xf32, #tpu.memory_space<vmem>> -> memref<1x256x128xf32, #tpu.memory_space<vmem>>
          %dma_wait3A_363 = tpu.memref_squeeze %dma_wait3A_362 : memref<1x256x128xf32, #tpu.memory_space<vmem>> -> memref<256x128xf32, #tpu.memory_space<vmem>>
          %dma_wait3A_364 = arith.constant 0 : i32
          %dma_wait3A_365 = tpu.memref_slice %arg4[%add3A_358, %dma_wait3A_364] : memref<819200x128xf32, #tpu.memory_space<hbm>> -> memref<256x128xf32, #tpu.memory_space<hbm>>
          %dma_wait3A_366 = arith.constant 0 : i32
          %dma_wait3A_367 = tpu.memref_slice %arg4[%add3A_358, %dma_wait3A_366] : memref<819200x128xf32, #tpu.memory_space<hbm>> -> memref<256x128xf32, #tpu.memory_space<hbm>>
          %dma_wait3A_368 = arith.constant 0 : i32
          %dma_wait3A_369 = arith.constant 0 : i32
          %dma_wait3A_370 = tpu.memref_slice %arg6[%dma_wait3A_359, %dma_wait3A_368, %dma_wait3A_369] : memref<3x256x128xf32, #tpu.memory_space<vmem>> -> memref<1x256x128xf32, #tpu.memory_space<vmem>>
          %dma_wait3A_371 = tpu.memref_squeeze %dma_wait3A_370 : memref<1x256x128xf32, #tpu.memory_space<vmem>> -> memref<256x128xf32, #tpu.memory_space<vmem>>
          tpu.wait_dma2 semaphore(%arg9 : memref<!tpu.dma_semaphore, #tpu.memory_space<semaphore_mem>>) src(%dma_wait3A_371 : memref<256x128xf32, #tpu.memory_space<vmem>>) dst(%dma_wait3A_367 : memref<256x128xf32, #tpu.memory_space<hbm>>)
        } else {
        }
        %add3A_321 = arith.constant 2 : i32
        %add3A_322 = arith.addi %add3A_202, %add3A_321 : i32
        %mul3A_323 = arith.constant 2 : i32
        %mul3A_324 = arith.muli %add3A_322, %mul3A_323 : i32
        %add3A_325 = arith.constant 0 : i32
        %add3A_326 = arith.addi %mul3A_324, %add3A_325 : i32
        %dma_start3A_327 = arith.constant 0 : i32
        %dma_start3A_328 = arith.constant 0 : i32
        %dma_start3A_329 = arith.constant 0 : i32
        %dma_start3A_330 = tpu.memref_slice %arg6[%dma_start3A_327, %dma_start3A_328, %dma_start3A_329] : memref<3x256x128xf32, #tpu.memory_space<vmem>> -> memref<1x128x128xf32, #tpu.memory_space<vmem>>
        %dma_start3A_331 = tpu.memref_squeeze %dma_start3A_330 : memref<1x128x128xf32, #tpu.memory_space<vmem>> -> memref<128x128xf32, #tpu.memory_space<vmem>>
        %dma_start3A_332 = arith.constant 0 : i32
        %dma_start3A_333 = tpu.memref_slice %arg5[%add3A_326, %dma_start3A_332] : memref<200x128xi32, #tpu.memory_space<vmem>> -> memref<1x128xi32, #tpu.memory_space<vmem>>
        %dma_start3A_334 = tpu.memref_squeeze %dma_start3A_333 : memref<1x128xi32, #tpu.memory_space<vmem>> -> memref<128xi32, #tpu.memory_space<vmem>>
        %dma_start3A_335 = arith.constant 0 : i32
        %dma_start3A_336 = arith.constant 0 : i32
        %dma_start3A_337 = tpu.memref_slice %arg7[%dma_start3A_335, %dma_start3A_336] : memref<22x128xf32, #tpu.memory_space<vmem_shared>> -> memref<22x128xf32, #tpu.memory_space<vmem_shared>>
        tpu.enqueue_indirect_dma source(%dma_start3A_337 : memref<22x128xf32, #tpu.memory_space<vmem_shared>>) target(%dma_start3A_331 : memref<128x128xf32, #tpu.memory_space<vmem>>) offsets(%dma_start3A_334 : memref<128xi32, #tpu.memory_space<vmem>>) semaphore(%arg8 : memref<!tpu.dma_semaphore, #tpu.memory_space<semaphore_mem>>)
        %mul3A_338 = arith.constant 2 : i32
        %mul3A_339 = arith.muli %add3A_322, %mul3A_338 : i32
        %add3A_340 = arith.constant 1 : i32
        %add3A_341 = arith.addi %mul3A_339, %add3A_340 : i32
        %dma_start3A_342 = arith.constant 0 : i32
        %dma_start3A_343 = arith.constant 128 : i32
        %dma_start3A_344 = arith.constant 0 : i32
        %dma_start3A_345 = tpu.memref_slice %arg6[%dma_start3A_342, %dma_start3A_343, %dma_start3A_344] : memref<3x256x128xf32, #tpu.memory_space<vmem>> -> memref<1x128x128xf32, #tpu.memory_space<vmem>>
        %dma_start3A_346 = tpu.memref_squeeze %dma_start3A_345 : memref<1x128x128xf32, #tpu.memory_space<vmem>> -> memref<128x128xf32, #tpu.memory_space<vmem>>
        %dma_start3A_347 = arith.constant 0 : i32
        %dma_start3A_348 = tpu.memref_slice %arg5[%add3A_341, %dma_start3A_347] : memref<200x128xi32, #tpu.memory_space<vmem>> -> memref<1x128xi32, #tpu.memory_space<vmem>>
        %dma_start3A_349 = tpu.memref_squeeze %dma_start3A_348 : memref<1x128xi32, #tpu.memory_space<vmem>> -> memref<128xi32, #tpu.memory_space<vmem>>
        %dma_start3A_350 = arith.constant 0 : i32
        %dma_start3A_351 = arith.constant 0 : i32
        %dma_start3A_352 = tpu.memref_slice %arg7[%dma_start3A_350, %dma_start3A_351] : memref<22x128xf32, #tpu.memory_space<vmem_shared>> -> memref<22x128xf32, #tpu.memory_space<vmem_shared>>
        tpu.enqueue_indirect_dma source(%dma_start3A_352 : memref<22x128xf32, #tpu.memory_space<vmem_shared>>) target(%dma_start3A_346 : memref<128x128xf32, #tpu.memory_space<vmem>>) offsets(%dma_start3A_349 : memref<128xi32, #tpu.memory_space<vmem>>) semaphore(%arg8 : memref<!tpu.dma_semaphore, #tpu.memory_space<semaphore_mem>>)
      } else {
      }
      %mul3A_258 = arith.constant 3 : i32
      %mul3A_259 = arith.muli %mul3A_258, %scan3A_140 : i32
      %add3A_260 = arith.constant 2 : i32
      %add3A_261 = arith.addi %mul3A_259, %add3A_260 : i32
      %mul3A_262 = arith.constant 2 : i32
      %mul3A_263 = arith.muli %add3A_261, %mul3A_262 : i32
      %add3A_264 = arith.constant 0 : i32
      %add3A_265 = arith.addi %mul3A_263, %add3A_264 : i32
      %dma_wait3A_266 = arith.constant 2 : i32
      %dma_wait3A_267 = arith.constant 0 : i32
      %dma_wait3A_268 = arith.constant 0 : i32
      %dma_wait3A_269 = tpu.memref_slice %arg6[%dma_wait3A_266, %dma_wait3A_267, %dma_wait3A_268] : memref<3x256x128xf32, #tpu.memory_space<vmem>> -> memref<1x128x128xf32, #tpu.memory_space<vmem>>
      %dma_wait3A_270 = tpu.memref_squeeze %dma_wait3A_269 : memref<1x128x128xf32, #tpu.memory_space<vmem>> -> memref<128x128xf32, #tpu.memory_space<vmem>>
      %dma_wait3A_271 = arith.constant 0 : i32
      %dma_wait3A_272 = tpu.memref_slice %arg5[%add3A_265, %dma_wait3A_271] : memref<200x128xi32, #tpu.memory_space<vmem>> -> memref<1x128xi32, #tpu.memory_space<vmem>>
      %dma_wait3A_273 = tpu.memref_squeeze %dma_wait3A_272 : memref<1x128xi32, #tpu.memory_space<vmem>> -> memref<128xi32, #tpu.memory_space<vmem>>
      %dma_wait3A_274 = arith.constant 0 : i32
      %dma_wait3A_275 = arith.constant 0 : i32
      %dma_wait3A_276 = tpu.memref_slice %arg7[%dma_wait3A_274, %dma_wait3A_275] : memref<22x128xf32, #tpu.memory_space<vmem_shared>> -> memref<22x128xf32, #tpu.memory_space<vmem_shared>>
      tpu.wait_indirect_dma semaphore(%arg8 : memref<!tpu.dma_semaphore, #tpu.memory_space<semaphore_mem>>) src(%dma_wait3A_276 : memref<22x128xf32, #tpu.memory_space<vmem_shared>>) dst(%dma_wait3A_270 : memref<128x128xf32, #tpu.memory_space<vmem>>)
      %mul3A_277 = arith.constant 2 : i32
      %mul3A_278 = arith.muli %add3A_261, %mul3A_277 : i32
      %add3A_279 = arith.constant 1 : i32
      %add3A_280 = arith.addi %mul3A_278, %add3A_279 : i32
      %dma_wait3A_281 = arith.constant 2 : i32
      %dma_wait3A_282 = arith.constant 128 : i32
      %dma_wait3A_283 = arith.constant 0 : i32
      %dma_wait3A_284 = tpu.memref_slice %arg6[%dma_wait3A_281, %dma_wait3A_282, %dma_wait3A_283] : memref<3x256x128xf32, #tpu.memory_space<vmem>> -> memref<1x128x128xf32, #tpu.memory_space<vmem>>
      %dma_wait3A_285 = tpu.memref_squeeze %dma_wait3A_284 : memref<1x128x128xf32, #tpu.memory_space<vmem>> -> memref<128x128xf32, #tpu.memory_space<vmem>>
      %dma_wait3A_286 = arith.constant 0 : i32
      %dma_wait3A_287 = tpu.memref_slice %arg5[%add3A_280, %dma_wait3A_286] : memref<200x128xi32, #tpu.memory_space<vmem>> -> memref<1x128xi32, #tpu.memory_space<vmem>>
      %dma_wait3A_288 = tpu.memref_squeeze %dma_wait3A_287 : memref<1x128xi32, #tpu.memory_space<vmem>> -> memref<128xi32, #tpu.memory_space<vmem>>
      %dma_wait3A_289 = arith.constant 0 : i32
      %dma_wait3A_290 = arith.constant 0 : i32
      %dma_wait3A_291 = tpu.memref_slice %arg7[%dma_wait3A_289, %dma_wait3A_290] : memref<22x128xf32, #tpu.memory_space<vmem_shared>> -> memref<22x128xf32, #tpu.memory_space<vmem_shared>>
      tpu.wait_indirect_dma semaphore(%arg8 : memref<!tpu.dma_semaphore, #tpu.memory_space<semaphore_mem>>) src(%dma_wait3A_291 : memref<22x128xf32, #tpu.memory_space<vmem_shared>>) dst(%dma_wait3A_285 : memref<128x128xf32, #tpu.memory_space<vmem>>)
      %mul3A_292 = arith.constant 2 : i32
      %mul3A_293 = arith.muli %add3A_261, %mul3A_292 : i32
      %mul3A_294 = arith.constant 128 : i32
      %mul3A_295 = arith.muli %mul3A_293, %mul3A_294 : i32
      %add3A_296 = arith.addi %mul3A_2, %mul3A_295 : i32
      %dma_start3A_297 = arith.constant 2 : i32
      %dma_start3A_298 = arith.constant 0 : i32
      %dma_start3A_299 = arith.constant 0 : i32
      %dma_start3A_300 = tpu.memref_slice %arg6[%dma_start3A_297, %dma_start3A_298, %dma_start3A_299] : memref<3x256x128xf32, #tpu.memory_space<vmem>> -> memref<1x256x128xf32, #tpu.memory_space<vmem>>
      %dma_start3A_301 = tpu.memref_squeeze %dma_start3A_300 : memref<1x256x128xf32, #tpu.memory_space<vmem>> -> memref<256x128xf32, #tpu.memory_space<vmem>>
      %dma_start3A_302 = arith.constant 0 : i32
      %dma_start3A_303 = tpu.memref_slice %arg4[%add3A_296, %dma_start3A_302] : memref<819200x128xf32, #tpu.memory_space<hbm>> -> memref<256x128xf32, #tpu.memory_space<hbm>>
      %dma_start3A_304 = arith.constant 0 : i32
      %dma_start3A_305 = tpu.memref_slice %arg4[%add3A_296, %dma_start3A_304] : memref<819200x128xf32, #tpu.memory_space<hbm>> -> memref<256x128xf32, #tpu.memory_space<hbm>>
      %dma_start3A_306 = arith.constant 0 : i32
      %dma_start3A_307 = arith.constant 0 : i32
      %dma_start3A_308 = tpu.memref_slice %arg6[%dma_start3A_297, %dma_start3A_306, %dma_start3A_307] : memref<3x256x128xf32, #tpu.memory_space<vmem>> -> memref<1x256x128xf32, #tpu.memory_space<vmem>>
      %dma_start3A_309 = tpu.memref_squeeze %dma_start3A_308 : memref<1x256x128xf32, #tpu.memory_space<vmem>> -> memref<256x128xf32, #tpu.memory_space<vmem>>
      tpu.enqueue_dma source(%dma_start3A_309 : memref<256x128xf32, #tpu.memory_space<vmem>>) target(%dma_start3A_305 : memref<256x128xf32, #tpu.memory_space<hbm>>) target_semaphore(%arg11 : memref<!tpu.dma_semaphore, #tpu.memory_space<semaphore_mem>>)
      %add3A_310 = arith.constant 2 : i32
      %add3A_311 = arith.addi %add3A_261, %add3A_310 : i32
      %lt3A_312 = arith.constant 100 : i32
      %lt3A_313 = arith.cmpi slt, %add3A_311, %lt3A_312 : i32
      %convert_element_type3A_314 = arith.extui %lt3A_313 : i1 to i32
      %cond3A_315 = arith.constant 0 : i32
      %cond3A_316 = arith.cmpi ne, %convert_element_type3A_314, %cond3A_315 : i32
      scf.if %cond3A_316 {
        %ge3A = arith.constant 1 : i32
        %ge3A_317 = arith.cmpi sge, %add3A_261, %ge3A : i32
        %convert_element_type3A_318 = arith.extui %ge3A_317 : i1 to i32
        %cond3A_319 = arith.constant 0 : i32
        %cond3A_320 = arith.cmpi ne, %convert_element_type3A_318, %cond3A_319 : i32
        scf.if %cond3A_320 {
          %sub3A = arith.constant 1 : i32
          %sub3A_353 = arith.subi %add3A_261, %sub3A : i32
          %mul3A_354 = arith.constant 2 : i32
          %mul3A_355 = arith.muli %sub3A_353, %mul3A_354 : i32
          %mul3A_356 = arith.constant 128 : i32
          %mul3A_357 = arith.muli %mul3A_355, %mul3A_356 : i32
          %add3A_358 = arith.addi %mul3A_2, %mul3A_357 : i32
          %dma_wait3A_359 = arith.constant 1 : i32
          %dma_wait3A_360 = arith.constant 0 : i32
          %dma_wait3A_361 = arith.constant 0 : i32
          %dma_wait3A_362 = tpu.memref_slice %arg6[%dma_wait3A_359, %dma_wait3A_360, %dma_wait3A_361] : memref<3x256x128xf32, #tpu.memory_space<vmem>> -> memref<1x256x128xf32, #tpu.memory_space<vmem>>
          %dma_wait3A_363 = tpu.memref_squeeze %dma_wait3A_362 : memref<1x256x128xf32, #tpu.memory_space<vmem>> -> memref<256x128xf32, #tpu.memory_space<vmem>>
          %dma_wait3A_364 = arith.constant 0 : i32
          %dma_wait3A_365 = tpu.memref_slice %arg4[%add3A_358, %dma_wait3A_364] : memref<819200x128xf32, #tpu.memory_space<hbm>> -> memref<256x128xf32, #tpu.memory_space<hbm>>
          %dma_wait3A_366 = arith.constant 0 : i32
          %dma_wait3A_367 = tpu.memref_slice %arg4[%add3A_358, %dma_wait3A_366] : memref<819200x128xf32, #tpu.memory_space<hbm>> -> memref<256x128xf32, #tpu.memory_space<hbm>>
          %dma_wait3A_368 = arith.constant 0 : i32
          %dma_wait3A_369 = arith.constant 0 : i32
          %dma_wait3A_370 = tpu.memref_slice %arg6[%dma_wait3A_359, %dma_wait3A_368, %dma_wait3A_369] : memref<3x256x128xf32, #tpu.memory_space<vmem>> -> memref<1x256x128xf32, #tpu.memory_space<vmem>>
          %dma_wait3A_371 = tpu.memref_squeeze %dma_wait3A_370 : memref<1x256x128xf32, #tpu.memory_space<vmem>> -> memref<256x128xf32, #tpu.memory_space<vmem>>
          tpu.wait_dma2 semaphore(%arg10 : memref<!tpu.dma_semaphore, #tpu.memory_space<semaphore_mem>>) src(%dma_wait3A_371 : memref<256x128xf32, #tpu.memory_space<vmem>>) dst(%dma_wait3A_367 : memref<256x128xf32, #tpu.memory_space<hbm>>)
        } else {
        }
        %add3A_321 = arith.constant 2 : i32
        %add3A_322 = arith.addi %add3A_261, %add3A_321 : i32
        %mul3A_323 = arith.constant 2 : i32
        %mul3A_324 = arith.muli %add3A_322, %mul3A_323 : i32
        %add3A_325 = arith.constant 0 : i32
        %add3A_326 = arith.addi %mul3A_324, %add3A_325 : i32
        %dma_start3A_327 = arith.constant 1 : i32
        %dma_start3A_328 = arith.constant 0 : i32
        %dma_start3A_329 = arith.constant 0 : i32
        %dma_start3A_330 = tpu.memref_slice %arg6[%dma_start3A_327, %dma_start3A_328, %dma_start3A_329] : memref<3x256x128xf32, #tpu.memory_space<vmem>> -> memref<1x128x128xf32, #tpu.memory_space<vmem>>
        %dma_start3A_331 = tpu.memref_squeeze %dma_start3A_330 : memref<1x128x128xf32, #tpu.memory_space<vmem>> -> memref<128x128xf32, #tpu.memory_space<vmem>>
        %dma_start3A_332 = arith.constant 0 : i32
        %dma_start3A_333 = tpu.memref_slice %arg5[%add3A_326, %dma_start3A_332] : memref<200x128xi32, #tpu.memory_space<vmem>> -> memref<1x128xi32, #tpu.memory_space<vmem>>
        %dma_start3A_334 = tpu.memref_squeeze %dma_start3A_333 : memref<1x128xi32, #tpu.memory_space<vmem>> -> memref<128xi32, #tpu.memory_space<vmem>>
        %dma_start3A_335 = arith.constant 0 : i32
        %dma_start3A_336 = arith.constant 0 : i32
        %dma_start3A_337 = tpu.memref_slice %arg7[%dma_start3A_335, %dma_start3A_336] : memref<22x128xf32, #tpu.memory_space<vmem_shared>> -> memref<22x128xf32, #tpu.memory_space<vmem_shared>>
        tpu.enqueue_indirect_dma source(%dma_start3A_337 : memref<22x128xf32, #tpu.memory_space<vmem_shared>>) target(%dma_start3A_331 : memref<128x128xf32, #tpu.memory_space<vmem>>) offsets(%dma_start3A_334 : memref<128xi32, #tpu.memory_space<vmem>>) semaphore(%arg8 : memref<!tpu.dma_semaphore, #tpu.memory_space<semaphore_mem>>)
        %mul3A_338 = arith.constant 2 : i32
        %mul3A_339 = arith.muli %add3A_322, %mul3A_338 : i32
        %add3A_340 = arith.constant 1 : i32
        %add3A_341 = arith.addi %mul3A_339, %add3A_340 : i32
        %dma_start3A_342 = arith.constant 1 : i32
        %dma_start3A_343 = arith.constant 128 : i32
        %dma_start3A_344 = arith.constant 0 : i32
        %dma_start3A_345 = tpu.memref_slice %arg6[%dma_start3A_342, %dma_start3A_343, %dma_start3A_344] : memref<3x256x128xf32, #tpu.memory_space<vmem>> -> memref<1x128x128xf32, #tpu.memory_space<vmem>>
        %dma_start3A_346 = tpu.memref_squeeze %dma_start3A_345 : memref<1x128x128xf32, #tpu.memory_space<vmem>> -> memref<128x128xf32, #tpu.memory_space<vmem>>
        %dma_start3A_347 = arith.constant 0 : i32
        %dma_start3A_348 = tpu.memref_slice %arg5[%add3A_341, %dma_start3A_347] : memref<200x128xi32, #tpu.memory_space<vmem>> -> memref<1x128xi32, #tpu.memory_space<vmem>>
        %dma_start3A_349 = tpu.memref_squeeze %dma_start3A_348 : memref<1x128xi32, #tpu.memory_space<vmem>> -> memref<128xi32, #tpu.memory_space<vmem>>
        %dma_start3A_350 = arith.constant 0 : i32
        %dma_start3A_351 = arith.constant 0 : i32
        %dma_start3A_352 = tpu.memref_slice %arg7[%dma_start3A_350, %dma_start3A_351] : memref<22x128xf32, #tpu.memory_space<vmem_shared>> -> memref<22x128xf32, #tpu.memory_space<vmem_shared>>
        tpu.enqueue_indirect_dma source(%dma_start3A_352 : memref<22x128xf32, #tpu.memory_space<vmem_shared>>) target(%dma_start3A_346 : memref<128x128xf32, #tpu.memory_space<vmem>>) offsets(%dma_start3A_349 : memref<128xi32, #tpu.memory_space<vmem>>) semaphore(%arg8 : memref<!tpu.dma_semaphore, #tpu.memory_space<semaphore_mem>>)
      } else {
      }
    }
    %scan3A_56 = arith.constant 33 : i32
    %dma_wait3A = arith.constant 198 : i32
    %dma_wait3A_57 = arith.constant 0 : i32
    %dma_wait3A_58 = arith.constant 0 : i32
    %dma_wait3A_59 = arith.constant 0 : i32
    %dma_wait3A_60 = tpu.memref_slice %arg6[%dma_wait3A_57, %dma_wait3A_58, %dma_wait3A_59] : memref<3x256x128xf32, #tpu.memory_space<vmem>> -> memref<1x128x128xf32, #tpu.memory_space<vmem>>
    %dma_wait3A_61 = tpu.memref_squeeze %dma_wait3A_60 : memref<1x128x128xf32, #tpu.memory_space<vmem>> -> memref<128x128xf32, #tpu.memory_space<vmem>>
    %dma_wait3A_62 = arith.constant 0 : i32
    %dma_wait3A_63 = tpu.memref_slice %arg5[%dma_wait3A, %dma_wait3A_62] : memref<200x128xi32, #tpu.memory_space<vmem>> -> memref<1x128xi32, #tpu.memory_space<vmem>>
    %dma_wait3A_64 = tpu.memref_squeeze %dma_wait3A_63 : memref<1x128xi32, #tpu.memory_space<vmem>> -> memref<128xi32, #tpu.memory_space<vmem>>
    %dma_wait3A_65 = arith.constant 0 : i32
    %dma_wait3A_66 = arith.constant 0 : i32
    %dma_wait3A_67 = tpu.memref_slice %arg7[%dma_wait3A_65, %dma_wait3A_66] : memref<22x128xf32, #tpu.memory_space<vmem_shared>> -> memref<22x128xf32, #tpu.memory_space<vmem_shared>>
    tpu.wait_indirect_dma semaphore(%arg8 : memref<!tpu.dma_semaphore, #tpu.memory_space<semaphore_mem>>) src(%dma_wait3A_67 : memref<22x128xf32, #tpu.memory_space<vmem_shared>>) dst(%dma_wait3A_61 : memref<128x128xf32, #tpu.memory_space<vmem>>)
    %dma_wait3A_68 = arith.constant 199 : i32
    %dma_wait3A_69 = arith.constant 0 : i32
    %dma_wait3A_70 = arith.constant 128 : i32
    %dma_wait3A_71 = arith.constant 0 : i32
    %dma_wait3A_72 = tpu.memref_slice %arg6[%dma_wait3A_69, %dma_wait3A_70, %dma_wait3A_71] : memref<3x256x128xf32, #tpu.memory_space<vmem>> -> memref<1x128x128xf32, #tpu.memory_space<vmem>>
    %dma_wait3A_73 = tpu.memref_squeeze %dma_wait3A_72 : memref<1x128x128xf32, #tpu.memory_space<vmem>> -> memref<128x128xf32, #tpu.memory_space<vmem>>
    %dma_wait3A_74 = arith.constant 0 : i32
    %dma_wait3A_75 = tpu.memref_slice %arg5[%dma_wait3A_68, %dma_wait3A_74] : memref<200x128xi32, #tpu.memory_space<vmem>> -> memref<1x128xi32, #tpu.memory_space<vmem>>
    %dma_wait3A_76 = tpu.memref_squeeze %dma_wait3A_75 : memref<1x128xi32, #tpu.memory_space<vmem>> -> memref<128xi32, #tpu.memory_space<vmem>>
    %dma_wait3A_77 = arith.constant 0 : i32
    %dma_wait3A_78 = arith.constant 0 : i32
    %dma_wait3A_79 = tpu.memref_slice %arg7[%dma_wait3A_77, %dma_wait3A_78] : memref<22x128xf32, #tpu.memory_space<vmem_shared>> -> memref<22x128xf32, #tpu.memory_space<vmem_shared>>
    tpu.wait_indirect_dma semaphore(%arg8 : memref<!tpu.dma_semaphore, #tpu.memory_space<semaphore_mem>>) src(%dma_wait3A_79 : memref<22x128xf32, #tpu.memory_space<vmem_shared>>) dst(%dma_wait3A_73 : memref<128x128xf32, #tpu.memory_space<vmem>>)
    %add3A_80 = arith.constant 25344 : i32
    %add3A_81 = arith.addi %mul3A_2, %add3A_80 : i32
    %dma_start3A_82 = arith.constant 0 : i32
    %dma_start3A_83 = arith.constant 0 : i32
    %dma_start3A_84 = arith.constant 0 : i32
    %dma_start3A_85 = tpu.memref_slice %arg6[%dma_start3A_82, %dma_start3A_83, %dma_start3A_84] : memref<3x256x128xf32, #tpu.memory_space<vmem>> -> memref<1x256x128xf32, #tpu.memory_space<vmem>>
    %dma_start3A_86 = tpu.memref_squeeze %dma_start3A_85 : memref<1x256x128xf32, #tpu.memory_space<vmem>> -> memref<256x128xf32, #tpu.memory_space<vmem>>
    %dma_start3A_87 = arith.constant 0 : i32
    %dma_start3A_88 = tpu.memref_slice %arg4[%add3A_81, %dma_start3A_87] : memref<819200x128xf32, #tpu.memory_space<hbm>> -> memref<256x128xf32, #tpu.memory_space<hbm>>
    %dma_start3A_89 = arith.constant 0 : i32
    %dma_start3A_90 = tpu.memref_slice %arg4[%add3A_81, %dma_start3A_89] : memref<819200x128xf32, #tpu.memory_space<hbm>> -> memref<256x128xf32, #tpu.memory_space<hbm>>
    %dma_start3A_91 = arith.constant 0 : i32
    %dma_start3A_92 = arith.constant 0 : i32
    %dma_start3A_93 = tpu.memref_slice %arg6[%dma_start3A_82, %dma_start3A_91, %dma_start3A_92] : memref<3x256x128xf32, #tpu.memory_space<vmem>> -> memref<1x256x128xf32, #tpu.memory_space<vmem>>
    %dma_start3A_94 = tpu.memref_squeeze %dma_start3A_93 : memref<1x256x128xf32, #tpu.memory_space<vmem>> -> memref<256x128xf32, #tpu.memory_space<vmem>>
    tpu.enqueue_dma source(%dma_start3A_94 : memref<256x128xf32, #tpu.memory_space<vmem>>) target(%dma_start3A_90 : memref<256x128xf32, #tpu.memory_space<hbm>>) target_semaphore(%arg9 : memref<!tpu.dma_semaphore, #tpu.memory_space<semaphore_mem>>)
    %add3A_95 = arith.constant 24832 : i32
    %add3A_96 = arith.addi %mul3A_2, %add3A_95 : i32
    %dma_wait3A_97 = arith.constant 1 : i32
    %dma_wait3A_98 = arith.constant 0 : i32
    %dma_wait3A_99 = arith.constant 0 : i32
    %dma_wait3A_100 = tpu.memref_slice %arg6[%dma_wait3A_97, %dma_wait3A_98, %dma_wait3A_99] : memref<3x256x128xf32, #tpu.memory_space<vmem>> -> memref<1x256x128xf32, #tpu.memory_space<vmem>>
    %dma_wait3A_101 = tpu.memref_squeeze %dma_wait3A_100 : memref<1x256x128xf32, #tpu.memory_space<vmem>> -> memref<256x128xf32, #tpu.memory_space<vmem>>
    %dma_wait3A_102 = arith.constant 0 : i32
    %dma_wait3A_103 = tpu.memref_slice %arg4[%add3A_96, %dma_wait3A_102] : memref<819200x128xf32, #tpu.memory_space<hbm>> -> memref<256x128xf32, #tpu.memory_space<hbm>>
    %dma_wait3A_104 = arith.constant 0 : i32
    %dma_wait3A_105 = tpu.memref_slice %arg4[%add3A_96, %dma_wait3A_104] : memref<819200x128xf32, #tpu.memory_space<hbm>> -> memref<256x128xf32, #tpu.memory_space<hbm>>
    %dma_wait3A_106 = arith.constant 0 : i32
    %dma_wait3A_107 = arith.constant 0 : i32
    %dma_wait3A_108 = tpu.memref_slice %arg6[%dma_wait3A_97, %dma_wait3A_106, %dma_wait3A_107] : memref<3x256x128xf32, #tpu.memory_space<vmem>> -> memref<1x256x128xf32, #tpu.memory_space<vmem>>
    %dma_wait3A_109 = tpu.memref_squeeze %dma_wait3A_108 : memref<1x256x128xf32, #tpu.memory_space<vmem>> -> memref<256x128xf32, #tpu.memory_space<vmem>>
    tpu.wait_dma2 semaphore(%arg10 : memref<!tpu.dma_semaphore, #tpu.memory_space<semaphore_mem>>) src(%dma_wait3A_109 : memref<256x128xf32, #tpu.memory_space<vmem>>) dst(%dma_wait3A_105 : memref<256x128xf32, #tpu.memory_space<hbm>>)
    %add3A_110 = arith.constant 25088 : i32
    %add3A_111 = arith.addi %mul3A_2, %add3A_110 : i32
    %dma_wait3A_112 = arith.constant 2 : i32
    %dma_wait3A_113 = arith.constant 0 : i32
    %dma_wait3A_114 = arith.constant 0 : i32
    %dma_wait3A_115 = tpu.memref_slice %arg6[%dma_wait3A_112, %dma_wait3A_113, %dma_wait3A_114] : memref<3x256x128xf32, #tpu.memory_space<vmem>> -> memref<1x256x128xf32, #tpu.memory_space<vmem>>
    %dma_wait3A_116 = tpu.memref_squeeze %dma_wait3A_115 : memref<1x256x128xf32, #tpu.memory_space<vmem>> -> memref<256x128xf32, #tpu.memory_space<vmem>>
    %dma_wait3A_117 = arith.constant 0 : i32
    %dma_wait3A_118 = tpu.memref_slice %arg4[%add3A_111, %dma_wait3A_117] : memref<819200x128xf32, #tpu.memory_space<hbm>> -> memref<256x128xf32, #tpu.memory_space<hbm>>
    %dma_wait3A_119 = arith.constant 0 : i32
    %dma_wait3A_120 = tpu.memref_slice %arg4[%add3A_111, %dma_wait3A_119] : memref<819200x128xf32, #tpu.memory_space<hbm>> -> memref<256x128xf32, #tpu.memory_space<hbm>>
    %dma_wait3A_121 = arith.constant 0 : i32
    %dma_wait3A_122 = arith.constant 0 : i32
    %dma_wait3A_123 = tpu.memref_slice %arg6[%dma_wait3A_112, %dma_wait3A_121, %dma_wait3A_122] : memref<3x256x128xf32, #tpu.memory_space<vmem>> -> memref<1x256x128xf32, #tpu.memory_space<vmem>>
    %dma_wait3A_124 = tpu.memref_squeeze %dma_wait3A_123 : memref<1x256x128xf32, #tpu.memory_space<vmem>> -> memref<256x128xf32, #tpu.memory_space<vmem>>
    tpu.wait_dma2 semaphore(%arg11 : memref<!tpu.dma_semaphore, #tpu.memory_space<semaphore_mem>>) src(%dma_wait3A_124 : memref<256x128xf32, #tpu.memory_space<vmem>>) dst(%dma_wait3A_120 : memref<256x128xf32, #tpu.memory_space<hbm>>)
    %add3A_125 = arith.constant 25344 : i32
    %add3A_126 = arith.addi %mul3A_2, %add3A_125 : i32
    %dma_wait3A_127 = arith.constant 0 : i32
    %dma_wait3A_128 = arith.constant 0 : i32
    %dma_wait3A_129 = arith.constant 0 : i32
    %dma_wait3A_130 = tpu.memref_slice %arg6[%dma_wait3A_127, %dma_wait3A_128, %dma_wait3A_129] : memref<3x256x128xf32, #tpu.memory_space<vmem>> -> memref<1x256x128xf32, #tpu.memory_space<vmem>>
    %dma_wait3A_131 = tpu.memref_squeeze %dma_wait3A_130 : memref<1x256x128xf32, #tpu.memory_space<vmem>> -> memref<256x128xf32, #tpu.memory_space<vmem>>
    %dma_wait3A_132 = arith.constant 0 : i32
    %dma_wait3A_133 = tpu.memref_slice %arg4[%add3A_126, %dma_wait3A_132] : memref<819200x128xf32, #tpu.memory_space<hbm>> -> memref<256x128xf32, #tpu.memory_space<hbm>>
    %dma_wait3A_134 = arith.constant 0 : i32
    %dma_wait3A_135 = tpu.memref_slice %arg4[%add3A_126, %dma_wait3A_134] : memref<819200x128xf32, #tpu.memory_space<hbm>> -> memref<256x128xf32, #tpu.memory_space<hbm>>
    %dma_wait3A_136 = arith.constant 0 : i32
    %dma_wait3A_137 = arith.constant 0 : i32
    %dma_wait3A_138 = tpu.memref_slice %arg6[%dma_wait3A_127, %dma_wait3A_136, %dma_wait3A_137] : memref<3x256x128xf32, #tpu.memory_space<vmem>> -> memref<1x256x128xf32, #tpu.memory_space<vmem>>
    %dma_wait3A_139 = tpu.memref_squeeze %dma_wait3A_138 : memref<1x256x128xf32, #tpu.memory_space<vmem>> -> memref<256x128xf32, #tpu.memory_space<vmem>>
    tpu.wait_dma2 semaphore(%arg9 : memref<!tpu.dma_semaphore, #tpu.memory_space<semaphore_mem>>) src(%dma_wait3A_139 : memref<256x128xf32, #tpu.memory_space<vmem>>) dst(%dma_wait3A_135 : memref<256x128xf32, #tpu.memory_space<hbm>>)
    return
  }
}

module attributes {stable_mosaic.version = 14 : i64} {
  func.func @_table_body(%arg0: memref<22xi32, #tpu.memory_space<vmem>>, %arg1: memref<5x64xf32, #tpu.memory_space<vmem>>, %arg2: memref<22x64xf32, #tpu.memory_space<vmem>>, %arg3: memref<22x4xf32, #tpu.memory_space<vmem>>, %arg4: memref<4x32xf32, #tpu.memory_space<vmem>>, %arg5: memref<32xf32, #tpu.memory_space<vmem>>, %arg6: memref<32x64xf32, #tpu.memory_space<vmem>>, %arg7: memref<64xf32, #tpu.memory_space<vmem>>, %arg8: memref<192x128xf32, #tpu.memory_space<vmem>>, %arg9: memref<128xf32, #tpu.memory_space<vmem>>, %arg10: memref<128xf32, #tpu.memory_space<vmem>>, %arg11: memref<128xf32, #tpu.memory_space<vmem>>, %arg12: memref<22x128xf32, #tpu.memory_space<vmem>>) attributes {dimension_semantics = [], scalar_prefetch = 0 : i64, scratch_operands = 0 : i64, tpu.core_type = #tpu.core_type<tc>} {
    %get3A = arith.constant 0 : index
    %get3A_0 = vector.load %arg0[%get3A] : memref<22xi32, #tpu.memory_space<vmem>>, vector<22xi32>
    %broadcast_in_dim3A = vector.shape_cast %get3A_0 : vector<22xi32> to vector<1x22xi32>
    %broadcast_in_dim3A_1 = vector.broadcast %broadcast_in_dim3A : vector<1x22xi32> to vector<8x22xi32>
    %iota3A = tpu.iota {dimensions = array<i32: 0>} : vector<8x22xi32>
    %eq3A = arith.cmpi eq, %broadcast_in_dim3A_1, %iota3A : vector<8x22xi32>
    %convert_element_type3A = arith.extui %eq3A : vector<8x22xi1> to vector<8x22xi32>
    %convert_element_type3A_2 = arith.sitofp %convert_element_type3A : vector<8x22xi32> to vector<8x22xf32>
    %get3A_3 = arith.constant 0 : index
    %get3A_4 = arith.constant 0 : index
    %get3A_5 = vector.load %arg1[%get3A_3, %get3A_4] : memref<5x64xf32, #tpu.memory_space<vmem>>, vector<5x64xf32>
    %broadcast_in_dim3A_6 = arith.constant 0.000000e+00 : f32
    %broadcast_in_dim3A_7 = vector.broadcast %broadcast_in_dim3A_6 : f32 to vector<3x64xf32>
    %concatenate3A = tpu.concatenate %get3A_5, %broadcast_in_dim3A_7 in 0 : vector<5x64xf32>, vector<3x64xf32> -> vector<8x64xf32>
    %dot_general3A = arith.constant dense<0.000000e+00> : vector<22x64xf32>
    %dot_general3A_8 = tpu.matmul %convert_element_type3A_2, %concatenate3A, %dot_general3A {dimension_numbers = #tpu.dot_dimension_numbers<[0], [0], [1], [1], [0, 1, 1, 1], [], []>, precision = #tpu.contract_precision<fp32>, transpose_lhs_hint = false} : vector<8x22xf32>, vector<8x64xf32>, vector<22x64xf32> -> vector<22x64xf32>
    %get3A_9 = arith.constant 0 : index
    %get3A_10 = arith.constant 0 : index
    %get3A_11 = vector.load %arg3[%get3A_9, %get3A_10] : memref<22x4xf32, #tpu.memory_space<vmem>>, vector<22x4xf32>
    %get3A_12 = arith.constant 0 : index
    %get3A_13 = arith.constant 0 : index
    %get3A_14 = vector.load %arg4[%get3A_12, %get3A_13] : memref<4x32xf32, #tpu.memory_space<vmem>>, vector<4x32xf32>
    %dot_general3A_15 = arith.constant dense<0.000000e+00> : vector<22x32xf32>
    %dot_general3A_16 = tpu.matmul %get3A_11, %get3A_14, %dot_general3A_15 {dimension_numbers = #tpu.dot_dimension_numbers<[1], [0], [0], [1], [0, 0, 1, 1], [], []>, precision = #tpu.contract_precision<fp32>, transpose_lhs_hint = false} : vector<22x4xf32>, vector<4x32xf32>, vector<22x32xf32> -> vector<22x32xf32>
    %get3A_17 = arith.constant 0 : index
    %get3A_18 = vector.load %arg5[%get3A_17] : memref<32xf32, #tpu.memory_space<vmem>>, vector<32xf32>
    %broadcast_in_dim3A_19 = vector.shape_cast %get3A_18 : vector<32xf32> to vector<1x32xf32>
    %add3A = vector.broadcast %broadcast_in_dim3A_19 : vector<1x32xf32> to vector<22x32xf32>
    %add3A_20 = arith.addf %dot_general3A_16, %add3A : vector<22x32xf32>
    %mul3A = arith.constant 5.000000e-01 : f32
    %mul3A_21 = vector.broadcast %mul3A : f32 to vector<22x32xf32>
    %mul3A_22 = arith.mulf %mul3A_21, %add3A_20 : vector<22x32xf32>
    %mul3A_23 = arith.constant 0.707106769 : f32
    %mul3A_24 = vector.broadcast %mul3A_23 : f32 to vector<22x32xf32>
    %mul3A_25 = arith.mulf %add3A_20, %mul3A_24 : vector<22x32xf32>
    %erf3A = math.erf %mul3A_25 : vector<22x32xf32>
    %add3A_26 = arith.constant 1.000000e+00 : f32
    %add3A_27 = vector.broadcast %add3A_26 : f32 to vector<22x32xf32>
    %add3A_28 = arith.addf %add3A_27, %erf3A : vector<22x32xf32>
    %mul3A_29 = arith.mulf %mul3A_22, %add3A_28 : vector<22x32xf32>
    %get3A_30 = arith.constant 0 : index
    %get3A_31 = arith.constant 0 : index
    %get3A_32 = vector.load %arg6[%get3A_30, %get3A_31] : memref<32x64xf32, #tpu.memory_space<vmem>>, vector<32x64xf32>
    %dot_general3A_33 = arith.constant dense<0.000000e+00> : vector<22x64xf32>
    %dot_general3A_34 = tpu.matmul %mul3A_29, %get3A_32, %dot_general3A_33 {dimension_numbers = #tpu.dot_dimension_numbers<[1], [0], [0], [1], [0, 0, 1, 1], [], []>, precision = #tpu.contract_precision<fp32>, transpose_lhs_hint = false} : vector<22x32xf32>, vector<32x64xf32>, vector<22x64xf32> -> vector<22x64xf32>
    %get3A_35 = arith.constant 0 : index
    %get3A_36 = vector.load %arg7[%get3A_35] : memref<64xf32, #tpu.memory_space<vmem>>, vector<64xf32>
    %broadcast_in_dim3A_37 = vector.shape_cast %get3A_36 : vector<64xf32> to vector<1x64xf32>
    %add3A_38 = vector.broadcast %broadcast_in_dim3A_37 : vector<1x64xf32> to vector<22x64xf32>
    %add3A_39 = arith.addf %dot_general3A_34, %add3A_38 : vector<22x64xf32>
    %get3A_40 = arith.constant 0 : index
    %get3A_41 = arith.constant 0 : index
    %get3A_42 = vector.load %arg8[%get3A_40, %get3A_41] : memref<192x128xf32, #tpu.memory_space<vmem>>, vector<64x128xf32>
    %dot_general3A_43 = arith.constant dense<0.000000e+00> : vector<22x128xf32>
    %dot_general3A_44 = tpu.matmul %dot_general3A_8, %get3A_42, %dot_general3A_43 {dimension_numbers = #tpu.dot_dimension_numbers<[1], [0], [0], [1], [0, 0, 1, 1], [], []>, precision = #tpu.contract_precision<fp32>, transpose_lhs_hint = false} : vector<22x64xf32>, vector<64x128xf32>, vector<22x128xf32> -> vector<22x128xf32>
    %get3A_45 = arith.constant 0 : index
    %get3A_46 = arith.constant 0 : index
    %get3A_47 = vector.load %arg2[%get3A_45, %get3A_46] : memref<22x64xf32, #tpu.memory_space<vmem>>, vector<22x64xf32>
    %get3A_48 = arith.constant 64 : index
    %get3A_49 = arith.constant 0 : index
    %get3A_50 = vector.load %arg8[%get3A_48, %get3A_49] : memref<192x128xf32, #tpu.memory_space<vmem>>, vector<64x128xf32>
    %dot_general3A_51 = arith.constant dense<0.000000e+00> : vector<22x128xf32>
    %dot_general3A_52 = tpu.matmul %get3A_47, %get3A_50, %dot_general3A_51 {dimension_numbers = #tpu.dot_dimension_numbers<[1], [0], [0], [1], [0, 0, 1, 1], [], []>, precision = #tpu.contract_precision<fp32>, transpose_lhs_hint = false} : vector<22x64xf32>, vector<64x128xf32>, vector<22x128xf32> -> vector<22x128xf32>
    %add3A_53 = arith.addf %dot_general3A_44, %dot_general3A_52 : vector<22x128xf32>
    %get3A_54 = arith.constant 128 : index
    %get3A_55 = arith.constant 0 : index
    %get3A_56 = vector.load %arg8[%get3A_54, %get3A_55] : memref<192x128xf32, #tpu.memory_space<vmem>>, vector<64x128xf32>
    %dot_general3A_57 = arith.constant dense<0.000000e+00> : vector<22x128xf32>
    %dot_general3A_58 = tpu.matmul %add3A_39, %get3A_56, %dot_general3A_57 {dimension_numbers = #tpu.dot_dimension_numbers<[1], [0], [0], [1], [0, 0, 1, 1], [], []>, precision = #tpu.contract_precision<fp32>, transpose_lhs_hint = false} : vector<22x64xf32>, vector<64x128xf32>, vector<22x128xf32> -> vector<22x128xf32>
    %add3A_59 = arith.addf %add3A_53, %dot_general3A_58 : vector<22x128xf32>
    %get3A_60 = arith.constant 0 : index
    %get3A_61 = vector.load %arg9[%get3A_60] : memref<128xf32, #tpu.memory_space<vmem>>, vector<128xf32>
    %broadcast_in_dim3A_62 = vector.shape_cast %get3A_61 : vector<128xf32> to vector<1x128xf32>
    %add3A_63 = vector.broadcast %broadcast_in_dim3A_62 : vector<1x128xf32> to vector<22x128xf32>
    %add3A_64 = arith.addf %add3A_59, %add3A_63 : vector<22x128xf32>
    %reduce_sum3A = arith.constant dense<0.000000e+00> : vector<22xf32>
    %reduce_sum3A_65 = vector.multi_reduction <add>, %add3A_64, %reduce_sum3A [1] : vector<22x128xf32> to vector<22xf32>
    %broadcast_in_dim3A_66 = vector.shape_cast %reduce_sum3A_65 : vector<22xf32> to vector<22x1xf32>
    %div3A = arith.constant 1.280000e+02 : f32
    %div3A_67 = vector.broadcast %div3A : f32 to vector<22x1xf32>
    %div3A_68 = arith.divf %broadcast_in_dim3A_66, %div3A_67 : vector<22x1xf32>
    %sub3A = vector.broadcast %div3A_68 : vector<22x1xf32> to vector<22x128xf32>
    %sub3A_69 = arith.subf %add3A_64, %sub3A : vector<22x128xf32>
    %integer_pow3A = arith.mulf %sub3A_69, %sub3A_69 : vector<22x128xf32>
    %reduce_sum3A_70 = arith.constant dense<0.000000e+00> : vector<22xf32>
    %reduce_sum3A_71 = vector.multi_reduction <add>, %integer_pow3A, %reduce_sum3A_70 [1] : vector<22x128xf32> to vector<22xf32>
    %broadcast_in_dim3A_72 = vector.shape_cast %reduce_sum3A_71 : vector<22xf32> to vector<22x1xf32>
    %div3A_73 = arith.constant 1.280000e+02 : f32
    %div3A_74 = vector.broadcast %div3A_73 : f32 to vector<22x1xf32>
    %div3A_75 = arith.divf %broadcast_in_dim3A_72, %div3A_74 : vector<22x1xf32>
    %sub3A_76 = vector.broadcast %div3A_68 : vector<22x1xf32> to vector<22x128xf32>
    %sub3A_77 = arith.subf %add3A_64, %sub3A_76 : vector<22x128xf32>
    %add3A_78 = arith.constant 9.99999974E-6 : f32
    %add3A_79 = vector.broadcast %add3A_78 : f32 to vector<22x1xf32>
    %add3A_80 = arith.addf %div3A_75, %add3A_79 : vector<22x1xf32>
    %rsqrt3A = math.rsqrt %add3A_80 : vector<22x1xf32>
    %mul3A_81 = vector.broadcast %rsqrt3A : vector<22x1xf32> to vector<22x128xf32>
    %mul3A_82 = arith.mulf %sub3A_77, %mul3A_81 : vector<22x128xf32>
    %get3A_83 = arith.constant 0 : index
    %get3A_84 = vector.load %arg10[%get3A_83] : memref<128xf32, #tpu.memory_space<vmem>>, vector<128xf32>
    %broadcast_in_dim3A_85 = vector.shape_cast %get3A_84 : vector<128xf32> to vector<1x128xf32>
    %mul3A_86 = vector.broadcast %broadcast_in_dim3A_85 : vector<1x128xf32> to vector<22x128xf32>
    %mul3A_87 = arith.mulf %mul3A_82, %mul3A_86 : vector<22x128xf32>
    %get3A_88 = arith.constant 0 : index
    %get3A_89 = vector.load %arg11[%get3A_88] : memref<128xf32, #tpu.memory_space<vmem>>, vector<128xf32>
    %broadcast_in_dim3A_90 = vector.shape_cast %get3A_89 : vector<128xf32> to vector<1x128xf32>
    %add3A_91 = vector.broadcast %broadcast_in_dim3A_90 : vector<1x128xf32> to vector<22x128xf32>
    %add3A_92 = arith.addf %mul3A_87, %add3A_91 : vector<22x128xf32>
    %swap3A = arith.constant 0 : index
    %swap3A_93 = arith.constant 0 : index
    %swap3A_94 = vector.load %arg12[%swap3A, %swap3A_93] : memref<22x128xf32, #tpu.memory_space<vmem>>, vector<22x128xf32>
    tpu.vector_store %arg12[%swap3A, %swap3A_93], %add3A_92 {strides = array<i32>} : memref<22x128xf32, #tpu.memory_space<vmem>>, vector<22x128xf32>,
    return
  }
}

</mosaic_0001>

<sc_bundles>
// kernel: kernel.4.cloned.1.call-start
scs
__scs_entry_jumppad:
0x0: {  	(pc) =	sbr.rel $0x88, $3  }
0x1: {  	(tag) =	ssettag $0x0;
	lr =	simm.s32 $0x1  }
0x2: {  	[smem:$0x3F94] =	sst lr;
	_ =	strace $0xD0000000  }
0x3: {  	_ = 	snop  }
0x4: {  	_ = 	snop  }
0x5: {  	_ = 	snop  }
0x6: {  	_ = 	snop  }
0x7: {  	_ = 	snop  }
__scs_overlays_trampoline_lowered:
0x8: {  	[smem:$0x3FA3] =	sst s0  }
0x9: {  	[smem:$0x3FA4] =	sst s1  }
0xa: {  	[smem:$0x3FA5] =	sst s2  }
0xb: {  	[smem:$0x3FA6] =	sst s3  }
0xc: {  	[smem:$0x3FA7] =	sst s4  }
0xd: {  	[smem:$0x3FA8] =	sst s5  }
0xe: {  	[smem:$0x3FA9] =	sst s6  }
0xf: {  	[smem:$0x3FAA] =	sst s7  }
0x10: {  	[smem:$0x3FAB] =	sst s8  }
0x11: {  	[smem:$0x3FAC] =	sst s9;
	s0 =	simm.s32 @!p0 $0x0  }
0x12: {  	s1 =	sld [smem:$0x3F92];
	s0 =	simm.s32 @p0 $0x1  }
0x13: {  	[smem:$0x3FAD] =	sst s0;
	s0 =	simm.s32 @!p1 $0x0  }
0x14: {  	s2 =	sld [smem:$0x3F91];
	s0 =	simm.s32 @p1 $0x1  }
0x15: {  	[smem:$0x3FAE] =	sst s0;
	s0 =	simm.s32 @!p2 $0x0  }
0x16: {  	s3 =	sld [smem:$0x3FDB];
	s0 =	simm.s32 @p2 $0x1  }
0x17: {  	s4 =	simm.s32 $0x1BF5;
	[smem:$0x3FB0] =	sst s0  }
0x18: {  	s0 =	sld [smem:$0x3F93];
	_ =	swait.ge [sflag:s4], $0x0  }
0x19: {  	s7 =	sld [smem:$0x3F94]  }
0x1a: {  	s8 =	sadd.s32 $0xFFFFE003, lr  }
0x1b: {  	s9 =	sadd.s32 $0xFFFFFEF7, lr;
	s5 =	simm.s32 $0xFFFFFFFF;
	p2 =	slt.u32 s8, $0xFFFFF086  }
0x1c: {  	p1 =	slt.u32 s9, $0xF7A;
	s5 =	simm.s32 @!p2 $0x0  }
0x1d: {  	s5 =	simm.s32 @p1 $0x1;
	p0 =	seq.s32 s7, s2  }
0x1e: {  	s7 =	smul.u32 @!p0 $0xF7A, s2;
	p2 =	seq.s32 @!p0 s5, $0x0  }
0x1f: {  	s9 =	smul.u32 $0xF7A, s1;
	s8 =	simm.s32 @!p0 $0x1BF5;
	p2 =	por !p2, p0  }
0x20: {  	[sflag:s8] =	ssyncset.s32 @!p0 $0xFFFFF086;
	s6 =	sadd.s32 @!p0 s3, s7;
	s7 =	simm.s32 @!p0 $0x108  }
0x21: {  	s3 =	sadd.s32 s3, s9;
	s6 =	sadd.s32 @!p0 $0x88, s6;
	s7 =	simm.s32 @p2 $0x1082  }
0x22: {  	[simem:s7], [sflag:s8] =	dma.local @!p0 [hbm:s6], $0xF7A  }
0x23: {  	s9 =	sor.u32 $0xD0000000, s2;
	s6 =	simm.s32 $0x108;
	_ =	swait.ge @!p0 [sflag:s8], $0x0  }
0x24: {  	s3 =	sadd.s32 $0x88, s3;
	s6 =	simm.s32 @!p1 $0x1082;
	[sflag:s4] =	ssyncset.s32 $0xFFFFF086  }
0x25: {  	[simem:s6], [sflag:s4] =	dma.local [hbm:s3], $0xF7A  }
0x26: {  	[smem:$0x3F94] =	sst s1;
	(tag) =	ssettag s2;
	_ =	strace s9  }
0x27: {  	s1 =	sld [smem:$0x3FA4]  }
0x28: {  	s2 =	sld [smem:$0x3FA5]  }
0x29: {  	s4 =	sld [smem:$0x3FA7]  }
0x2a: {  	p0 =	seq.s32 s5, $0x0;
	s5 =	sld [smem:$0x3FA8]  }
0x2b: {  	s6 =	sld [smem:$0x3FA9]  }
0x2c: {  	s7 =	sld [smem:$0x3FAA]  }
0x2d: {  	s3 =	simm.s32 $0x108;
	s8 =	sld [smem:$0x3FAB]  }
0x2e: {  	s3 =	simm.s32 @!p0 $0x1082;
	s9 =	sld [smem:$0x3FAC]  }
0x2f: {  	lr =	sadd.s32 s0, s3;
	s0 =	sld [smem:$0x3FA3]  }
0x30: {  	s3 =	sld [smem:$0x3FA6]  }
0x31: {  	[smem:$0x3FAF] =	sst s10  }
0x32: {  	s10 =	sld [smem:$0x3FAD];
	_ =	sdelay $0x3  }
0x33: {  	p0 =	seq.s32 s10, $0x1;
	s10 =	sld [smem:$0x3FAF];
	_ =	sdelay $0x3  }
0x34: {  	[smem:$0x3FAF] =	sst s10  }
0x35: {  	s10 =	sld [smem:$0x3FAE];
	_ =	sdelay $0x3  }
0x36: {  	p1 =	seq.s32 s10, $0x1;
	s10 =	sld [smem:$0x3FAF];
	_ =	sdelay $0x3  }
0x37: {  	[smem:$0x3FAF] =	sst s10  }
0x38: {  	s10 =	sld [smem:$0x3FB0]  }
0x39: {  	_ = 	snop;
	(pc) =	sbr.ind lr, $3  }
0x3a: {  	_ = 	snop  }
0x3b: {  	_ = 	snop  }
0x3c: {  	p2 =	seq.s32 s10, $0x1;
	s10 =	sld [smem:$0x3FAF]  }
0x3d: {  	_ =	shalt  }
0x3e: {  	_ =	shalt  }
0x3f: {  	_ =	shalt  }
0x40: {  	_ =	shalt  }
0x41: {  	_ =	shalt  }
0x42: {  	_ =	shalt  }
0x43: {  	_ =	shalt  }
0x44: {  	_ =	shalt  }
0x45: {  	_ =	shalt  }
0x46: {  	_ =	shalt  }
0x47: {  	_ =	shalt  }
0x48: {  	_ =	shalt  }
0x49: {  	_ =	shalt  }
0x4a: {  	_ =	shalt  }
0x4b: {  	_ =	shalt  }
0x4c: {  	_ =	shalt  }
0x4d: {  	_ =	shalt  }
0x4e: {  	_ =	shalt  }
0x4f: {  	_ =	shalt  }
0x50: {  	_ =	shalt  }
0x51: {  	_ =	shalt  }
0x52: {  	_ =	shalt  }
0x53: {  	_ =	shalt  }
0x54: {  	_ =	shalt  }
0x55: {  	_ =	shalt  }
0x56: {  	_ =	shalt  }
0x57: {  	_ =	shalt  }
0x58: {  	_ =	shalt  }
0x59: {  	_ =	shalt  }
0x5a: {  	_ =	shalt  }
0x5b: {  	_ =	shalt  }
0x5c: {  	_ =	shalt  }
0x5d: {  	_ =	shalt  }
0x5e: {  	_ =	shalt  }
0x5f: {  	_ =	shalt  }
0x60: {  	_ =	shalt  }
0x61: {  	_ =	shalt  }
0x62: {  	_ =	shalt  }
0x63: {  	_ =	shalt  }
0x64: {  	_ =	shalt  }
0x65: {  	_ =	shalt  }
0x66: {  	_ =	shalt  }
0x67: {  	_ =	shalt  }
0x68: {  	_ =	shalt  }
0x69: {  	_ =	shalt  }
0x6a: {  	_ =	shalt  }
0x6b: {  	_ =	shalt  }
0x6c: {  	_ =	shalt  }
0x6d: {  	_ =	shalt  }
0x6e: {  	_ =	shalt  }
0x6f: {  	_ =	shalt  }
0x70: {  	_ =	shalt  }
0x71: {  	_ =	shalt  }
0x72: {  	_ =	shalt  }
0x73: {  	_ =	shalt  }
0x74: {  	_ =	shalt  }
0x75: {  	_ =	shalt  }
0x76: {  	_ =	shalt  }
0x77: {  	_ =	shalt  }
0x78: {  	_ =	shalt  }
0x79: {  	_ =	shalt  }
0x7a: {  	_ =	shalt  }
0x7b: {  	_ =	shalt  }
0x7c: {  	_ =	shalt  }
0x7d: {  	_ =	shalt  }
0x7e: {  	_ =	shalt  }
0x7f: {  	_ =	shalt  }
0x80: {  	_ =	shalt  }
0x81: {  	_ =	shalt  }
0x82: {  	_ =	shalt  }
0x83: {  	_ =	shalt  }
0x84: {  	_ =	shalt  }
0x85: {  	_ =	shalt  }
0x86: {  	_ =	shalt  }
0x87: {  	_ =	shalt  }
.Lfunc_end0:
.L_simem_size_0:
called_computation_lowered:
.L_overlay_start_0:
0x88: {  	s2 =	sld [smem:$0x3FD9]  }
0x89: {  	s3 =	sld [smem:$0x3FFE];
	_ =	sdelay $0x1  }
0x8a: {  	s1 =	srdreg.scid  }
0x8b: {  	s0 =	sand.u32 $0x1, s1  }
0x8c: {  	s17 =	sshll.u32 s0, $0xA;
	s2 =	sadd.s32 s3, s2  }
0x8d: {  	s2 =	sadd.s32 s2, s17  }
0x8e: {  	[smem:$0x3FBB] =	sst s2  }
0x8f: {  	_ = 	snop  }
0x90: {  	s2 =	sld [smem:$0x3FD0];
	(tm) =	ssettm $0x1  }
0x91: {  	s18 =	sld [smem:$0x3FFB];
	_ =	sdelay $0x3  }
0x92: {  	_ =	strace s18  }
0x93: {  	s3 =	sld [smem:$0x3FFC];
	_ =	sdelay $0x3  }
0x94: {  	_ =	strace s3  }
0x95: {  	s3 =	sld [smem:$0x3FFD];
	_ =	sdelay $0x3  }
0x96: {  	_ =	strace s3  }
0x97: {  	_ =	strace $0x8FFFFFFF  }
0x98: {  	s19 =	sld [smem:$0x3FDB];
	_ =	sdelay $0x1  }
0x99: {  	s4 =	simm.s32 $_scs_section_size  }
0x9a: {  	s5 =	simm.s32 $_size__tile_overlayer_lowered;
	s6 =	simm.s32 $_tile_overlayer_lowered  }
0x9b: {  	s22 =	simm.s32 $0x1BFF;
	s21 =	sshll.u32 s6, $0x1;
	s3 =	sadd.s32 s4, s19  }
0x9c: {  	s7 =	simm.s32 $0x0;
	s20 =	sshll.u32 s5, $0x1;
	s5 =	sadd.s32 s21, s3  }
0x9d: {  	[timem:s7], [sflag:s22] =	dma.local [hbm:s5], s20  }
0x9e: {  	_ =	swait.ge [sflag:s22], s20  }
0x9f: {  	s4 =	ssub.s32 $0x0, s20;
	[sflag:s22] =	ssyncset.done $0x0  }
0xa0: {  	[sflag:s22] =	ssyncadd.s32 s4;
	_ =	sdelay $0x1  }
0xa1: {  	s23 =	simm.s32 $0x1B8B  }
0xa2: {  	_ =	swait.ge [sflag:s23], $0x1  }
0xa3: {  	[sflag:s23] =	ssyncset.done $0x0  }
0xa4: {  	s25 =	simm.s32 $0x1B8E;
	s24 =	sld [smem:$0x3FFE];
	[sflag:s23] =	ssyncadd.s32 $0xFFFFFFFF  }
0xa5: {  	s26 =	simm.s32 $execute0_lowered;
	[smem:$0x3FD2] =	sst s25  }
0xa6: {  	s5 =	sshll.u32 s26, $0x1;
	_ =	strace $0x80000046;
	[dreg:$0x1] =	wrdreg $0xFFFFFFFF  }
0xa7: {  	s28 =	simm.s32 $_size_execute0_lowered;
	s3 =	sadd.s32 s3, s5;
	[dreg:$0x0] =	wrdreg $0x0  }
0xa8: {  	s5 =	sshll.u32 s28, $0x1;
	[dreg:$0x2] =	wrdreg s3  }
0xa9: {  	[dreg:$0x3] =	wrdreg s5  }
0xaa: {  	[dreg:$0x4] =	wrdreg $0xC0  }
0xab: {  	_ =	task [dreg:s7], $0x5FFFF  }
0xac: {  	[dreg:$0x1] =	wrdreg $0xFFFFFFFF  }
0xad: {  	[dreg:$0x0] =	wrdreg $0x60  }
0xae: {  	[dreg:$0x2] =	wrdreg s24  }
0xaf: {  	[dreg:$0x3] =	wrdreg s2  }
0xb0: {  	[dreg:$0x4] =	wrdreg $0x1E4000  }
0xb1: {  	[dreg:$0x5] =	wrdreg $0x9  }
0xb2: {  	_ =	task.clear_ibuf [dreg:s7], $0x6FFFF;
	_ =	strace $0x90000046  }
0xb3: {  	s29 =	simm.s32 $0x9;
	_ =	strace $0x80000048  }
0xb4: {  	_ =	swait.ge [sflag:s29], $0x1  }
0xb5: {  	[sflag:s29] =	ssyncadd.s32 $0xFFFFFFFF  }
0xb6: {  	_ =	strace $0x90000048  }
0xb7: {  	_ =	sfence  }
0xb8: {  	s30 =	sld [smem:$0x0];
	_ =	sdelay $0x2  }
0xb9: {  	s31 =	sshll.u32 s1, $0xD;
	s1 =	sshrl.u32 s1, $0x2  }
0xba: {  	s3 =	sand.u32 $0x4000, s31;
	s1 =	sadd.s32 s1, s30  }
0xbb: {  	s0 =	sor.u32 s3, s0;
	s1 =	sshll.u32 s1, $0x11  }
0xbc: {  	s0 =	sor.u32 s1, s0  }
0xbd: {  	s0 =	sadd.s32 $0x8F2B, s0  }
0xbe: {  	[sflag:s0] =	ssyncadd.remote.s32 $0x1  }
0xbf: {  	_ =	sfence.sel $0xFFFF  }
0xc0: {  	[dreg:$0x0] =	wrdreg $0xFFFFFFFF;
	(pc) =	sbr.abs _section_cstart, $3  }
0xc1: {  	[dreg:$0x1] =	wrdreg $0xFFFFFFFF  }
0xc2: {  	_ =	task.clear_ibuf [dreg:s7], $0x2FFFF;
	_ =	strace $0x9FFFFFFF  }
0xc3: {  	(tm) =	ssettm $0x7FFFFFFF  }
tec
execute0_lowered:
.L_overlay_start_1:
0x0: {  	(tag) =	ssettag $0x1  }
0x1: {  	s0 =	rddreg [dreg:$0x0]  }
0x2: {  	s10 =	rddreg [dreg:$0x1]  }
0x3: {  	s2 =	srdreg.scid;
	s11 =	stileid.u32  }
0x4: {  	s1 =	rddreg [dreg:$0x2];
	s16 =	simm.s32 $0x6400;
	s17 =	simm.s32 $0xA400  }
0x5: {  	s28 =	simm.s32 $0x2;
	s31 =	simm.s32 $0x3;
	s9 =	smul.u32 $0x640000, s11  }
0x6: {  	s12 =	sand.u32 $0x1, s2;
	s3 =	sshll.u32 s11, $0x1;
	s15 =	smul.u32 $0xC8000, s11  }
0x7: {  	s2 =	simm.s32 $0x0;
	s19 =	sadd.s32 $0x1AC00, s0;
	s13 =	smul.u32 $0x320000, s12  }
0x8: {  	s4 =	sor.u32 s12, s3;
	s6 =	ssub.s32 $0x2, s12;
	s12 =	smul.u32 $0x64000, s12  }
0x9: {  	p0 =	sne.s32 s11, $0x0;
	[smem:$0x7FF] =	sst s2;
	s5 =	smul.u32 $0x6400, s4  }
0xa: {  	_ =	strace $0x80000047;
	[dreg:$0x4] =	wrdreg s19;
	s7 =	smul.u32 $0x320000, s4  }
0xb: {  	s20 =	sshrl.u32 s6, $0x1;
	s8 =	smul.u32 $0x64000, s4;
	s26 =	sadd.s32 s15, s10  }
0xc: {  	s15 =	simm.s32 $0x80;
	s19 =	simm.s32 $0xE400;
	s6 =	ssub.s32 s6, s20  }
0xd: {  	s13 =	sadd.s32 s13, s9;
	s12 =	sadd.s32 s12, s26;
	s26 =	simm.s32 $0x1A400  }
0xe: {  	s20 =	simm.s32 $0x4;
	s5 =	sshrl.u32 s5, $0x3;
	s21 =	sshrl.u32 s7, $0x3  }
0xf: {  	s14 =	sor.u32 $0x8000, s7;
	s6 =	smax.u32 s6, $0x1;
	s7 =	sadd.s32 s10, s8  }
0x10: {  	s24 =	sadd.s32 $0x20000, s13;
	s13 =	sadd.s32 $0x28000, s13;
	s30 =	sadd.s32 $0x3000, s12  }
0x11: {  	s0 =	sadd.s32 s5, s0;
	s22 =	sadd.s32 s21, s10;
	s23 =	sshrl.u32 s14, $0x3  }
.Ltmp0:
0x12: {  	s25 =	sshrl.u32 s24, $0x3;
	s13 =	sshrl.u32 s13, $0x3;
	(pc) =	sbr.rel .LBB2_1-.Ltmp0, $4  }
0x13: {  	s14 =	simm.s32 $0x5;
	s21 =	simm.s32 $0x12400;
	s24 =	simm.s32 $0x16400  }
0x14: {  	s4 =	sadd.s32 $0x1C00, s0;
	s5 =	sadd.s32 $0x63000, s22;
	s8 =	sadd.s32 s10, s23  }
0x15: {  	s9 =	sadd.s32 $0x2000, s22;
	s0 =	sadd.s32 s25, s10;
	s29 =	sadd.s32 s13, s10  }
0x16: {  	s13 =	sshrl.u32 @!p0 s1, $0x3;
	s22 =	simm.s32 $0x1;
	s23 =	simm.s32 $0x0  }
.LBB2_4:
0x17: {  	_ =	swait.ge [sflag:s22], $0x4000  }
0x18: {  	[sflag:s22] =	ssyncset.done $0x0  }
0x19: {  	[sflag:s22] =	ssyncadd.s32 $0xFFFFC000  }
0x1a: {  	_ =	swait.ge [sflag:s22], $0x4000  }
0x1b: {  	[sflag:s22] =	ssyncset.done $0x0  }
0x1c: {  	[sflag:s22] =	ssyncadd.s32 $0xFFFFC000  }
0x1d: {  	[hbm4b:s5+s2] =	stream.linear.scatter [tilespmem:s16], [sflag:$0x2], $0x8000, $0x38;
	[tilespmem:$0x1E4B0] =	vst v63  }
0x1e: {  	_ =	swait.ge [sflag:s31], $0x8000  }
0x1f: {  	[sflag:s31] =	ssyncset.done $0x0  }
0x20: {  	s23 =	sadd.s32 $0x1, s23;
	[sflag:s31] =	ssyncadd.s32 $0xFFFF8000  }
0x21: {  	p1 =	sne.s32 s23, s6;
	_ =	swait.ge [sflag:s20], $0x8000  }
.Ltmp1:
0x22: {  	[sflag:s20] =	ssyncset.done $0x0;
	(pc) =	sbr.rel @!p1 .LBB2_5-.Ltmp1, $4  }
0x23: {  	[sflag:s20] =	ssyncadd.s32 $0xFFFF8000  }
0x24: {  	_ =	swait.ge [sflag:s28], $0x8000  }
0x25: {  	[sflag:s28] =	ssyncset.done $0x0  }
0x26: {  	[sflag:s28] =	ssyncadd.s32 $0xFFFF8000  }
.LBB2_1:
0x27: {  	s10 =	simm.s32 @!p0 $0x1C05;
	s3 =	rddreg [dreg:$0x4]  }
0x28: {  	[spmem:s13], [sflag:s10] =	dma.local @!p0 [hbm:s3], $0x160  }
0x29: {  	s10 =	simm.s32 @!p0 $0x5  }
0x2a: {  	_ =	swait.ge @!p0 [sflag:s10], $0x160  }
0x2b: {  	[sflag:s10] =	ssyncset.done @!p0 $0x0  }
0x2c: {  	[sflag:s10] =	ssyncadd.s32 @!p0 $0xFFFFFEA0  }
0x2d: {  	[tilespmem:s2], [sflag:$0x5] =	stream.linear.gather [hbm4b:s4+s2], $0x6400, $0x38;
	[tilespmem:$0x1E4B0] =	vst v63  }
0x2e: {  	_ =	swait.ge [sflag:s14], $0x6400  }
0x2f: {  	[sflag:s14] =	ssyncset.done $0x0  }
0x30: {  	[sflag:s14] =	ssyncadd.s32 $0xFFFF9C00  }
0x31: {  	[bflag:$0x0] =	sbarrier.arrive $0xFFFF  }
0x32: {  	[tilespmem:s16], [sflag:$0x1] =	stream.indirect.gather [spmem:s1], $0x80, s2, s15, $0xb8;
	[tilespmem:$0x1E4B0] =	vst v63  }
0x33: {  	_ = 	snop  }
0x34: {  	[tilespmem:s17], [sflag:$0x1] =	stream.indirect.gather [spmem:s1], $0x80, s15, s15, $0xb8;
	[tilespmem:$0x1E4B0] =	vst v63  }
0x35: {  	s12 =	simm.s32 $0x100  }
0x36: {  	[tilespmem:s19], [sflag:$0x1] =	stream.indirect.gather [spmem:s1], $0x80, s12, s15, $0xb8;
	[tilespmem:$0x1E4B0] =	vst v63  }
0x37: {  	s18 =	simm.s32 $0x180  }
0x38: {  	[tilespmem:s21], [sflag:$0x1] =	stream.indirect.gather [spmem:s1], $0x80, s18, s15, $0xb8;
	[tilespmem:$0x1E4B0] =	vst v63  }
0x39: {  	_ =	swait.ge [sflag:s22], $0x4000  }
0x3a: {  	[sflag:s22] =	ssyncset.done $0x0  }
0x3b: {  	[sflag:s22] =	ssyncadd.s32 $0xFFFFC000  }
0x3c: {  	_ =	swait.ge [sflag:s22], $0x4000  }
0x3d: {  	[sflag:s22] =	ssyncset.done $0x0  }
0x3e: {  	[sflag:s22] =	ssyncadd.s32 $0xFFFFC000  }
0x3f: {  	[hbm4b:s7+s2] =	stream.linear.scatter [tilespmem:s16], [sflag:$0x2], $0x8000, $0x38;
	[tilespmem:$0x1E4B0] =	vst v63  }
0x40: {  	s25 =	simm.s32 $0x200  }
0x41: {  	[tilespmem:s24], [sflag:$0x1] =	stream.indirect.gather [spmem:s1], $0x80, s25, s15, $0xb8;
	[tilespmem:$0x1E4B0] =	vst v63  }
0x42: {  	s10 =	simm.s32 $0x280  }
0x43: {  	[tilespmem:s26], [sflag:$0x1] =	stream.indirect.gather [spmem:s1], $0x80, s10, s15, $0xb8;
	[tilespmem:$0x1E4B0] =	vst v63  }
0x44: {  	_ =	swait.ge [sflag:s22], $0x4000  }
0x45: {  	[sflag:s22] =	ssyncset.done $0x0  }
0x46: {  	[sflag:s22] =	ssyncadd.s32 $0xFFFFC000  }
0x47: {  	_ =	swait.ge [sflag:s22], $0x4000  }
0x48: {  	[sflag:s22] =	ssyncset.done $0x0  }
0x49: {  	[sflag:s22] =	ssyncadd.s32 $0xFFFFC000  }
0x4a: {  	[hbm4b:s8+s2] =	stream.linear.scatter [tilespmem:s19], [sflag:$0x3], $0x8000, $0x38;
	[tilespmem:$0x1E4B0] =	vst v63  }
0x4b: {  	_ =	swait.ge [sflag:s28], $0x8000  }
0x4c: {  	[sflag:s28] =	ssyncset.done $0x0  }
0x4d: {  	s11 =	simm.s32 $0x300;
	[sflag:s28] =	ssyncadd.s32 $0xFFFF8000  }
0x4e: {  	[tilespmem:s16], [sflag:$0x1] =	stream.indirect.gather [spmem:s1], $0x80, s11, s15, $0xb8;
	[tilespmem:$0x1E4B0] =	vst v63  }
0x4f: {  	s12 =	simm.s32 $0x380  }
0x50: {  	[tilespmem:s17], [sflag:$0x1] =	stream.indirect.gather [spmem:s1], $0x80, s12, s15, $0xb8;
	[tilespmem:$0x1E4B0] =	vst v63  }
0x51: {  	_ =	swait.ge [sflag:s22], $0x4000  }
0x52: {  	[sflag:s22] =	ssyncset.done $0x0  }
0x53: {  	[sflag:s22] =	ssyncadd.s32 $0xFFFFC000  }
0x54: {  	_ =	swait.ge [sflag:s22], $0x4000  }
0x55: {  	[sflag:s22] =	ssyncset.done $0x0  }
0x56: {  	[sflag:s22] =	ssyncadd.s32 $0xFFFFC000  }
0x57: {  	[hbm4b:s9+s2] =	stream.linear.scatter [tilespmem:s24], [sflag:$0x4], $0x8000, $0x38;
	[tilespmem:$0x1E4B0] =	vst v63  }
0x58: {  	_ =	swait.ge [sflag:s31], $0x8000  }
0x59: {  	[sflag:s31] =	ssyncset.done $0x0  }
0x5a: {  	s18 =	simm.s32 $0x400;
	[sflag:s31] =	ssyncadd.s32 $0xFFFF8000  }
0x5b: {  	[tilespmem:s19], [sflag:$0x1] =	stream.indirect.gather [spmem:s1], $0x80, s18, s15, $0xb8;
	[tilespmem:$0x1E4B0] =	vst v63  }
0x5c: {  	s25 =	simm.s32 $0x480;
	s10 =	smov.u32 s0  }
0x5d: {  	[tilespmem:s21], [sflag:$0x1] =	stream.indirect.gather [spmem:s1], $0x80, s25, s15, $0xb8;
	[tilespmem:$0x1E4B0] =	vst v63  }
0x5e: {  	s11 =	smov.u32 s30;
	s12 =	smov.u32 s29;
	s25 =	simm.s32 $0x0  }
.LBB2_2:
0x5f: {  	_ =	swait.ge [sflag:s22], $0x4000  }
0x60: {  	[sflag:s22] =	ssyncset.done $0x0  }
0x61: {  	[sflag:s22] =	ssyncadd.s32 $0xFFFFC000  }
0x62: {  	_ =	swait.ge [sflag:s22], $0x4000  }
0x63: {  	[sflag:s22] =	ssyncset.done $0x0  }
0x64: {  	[sflag:s22] =	ssyncadd.s32 $0xFFFFC000  }
0x65: {  	[hbm4b:s11+s2] =	stream.linear.scatter [tilespmem:s16], [sflag:$0x2], $0x8000, $0x38;
	[tilespmem:$0x1E4B0] =	vst v63  }
0x66: {  	_ =	swait.ge [sflag:s20], $0x8000  }
0x67: {  	s18 =	sshra.s32 s25, $0x2;
	[sflag:s20] =	ssyncset.done $0x0  }
0x68: {  	s3 =	sadd.s32 $0x500, s18;
	[sflag:s20] =	ssyncadd.s32 $0xFFFF8000  }
0x69: {  	[tilespmem:s24], [sflag:$0x1] =	stream.indirect.gather [spmem:s1], $0x80, s3, s15, $0xb8;
	[tilespmem:$0x1E4B0] =	vst v63  }
0x6a: {  	s3 =	sadd.s32 $0x580, s18  }
0x6b: {  	[tilespmem:s26], [sflag:$0x1] =	stream.indirect.gather [spmem:s1], $0x80, s3, s15, $0xb8;
	[tilespmem:$0x1E4B0] =	vst v63  }
0x6c: {  	_ =	swait.ge [sflag:s22], $0x4000  }
0x6d: {  	[sflag:s22] =	ssyncset.done $0x0  }
0x6e: {  	[sflag:s22] =	ssyncadd.s32 $0xFFFFC000  }
0x6f: {  	_ =	swait.ge [sflag:s22], $0x4000  }
0x70: {  	[sflag:s22] =	ssyncset.done $0x0  }
0x71: {  	[sflag:s22] =	ssyncadd.s32 $0xFFFFC000  }
0x72: {  	[hbm4b:s10+s2] =	stream.linear.scatter [tilespmem:s19], [sflag:$0x3], $0x8000, $0x38;
	[tilespmem:$0x1E4B0] =	vst v63  }
0x73: {  	_ =	swait.ge [sflag:s28], $0x8000  }
0x74: {  	[sflag:s28] =	ssyncset.done $0x0  }
0x75: {  	s3 =	sadd.s32 $0x600, s18;
	[sflag:s28] =	ssyncadd.s32 $0xFFFF8000  }
0x76: {  	[tilespmem:s16], [sflag:$0x1] =	stream.indirect.gather [spmem:s1], $0x80, s3, s15, $0xb8;
	[tilespmem:$0x1E4B0] =	vst v63  }
0x77: {  	s3 =	sadd.s32 $0x680, s18  }
0x78: {  	[tilespmem:s17], [sflag:$0x1] =	stream.indirect.gather [spmem:s1], $0x80, s3, s15, $0xb8;
	[tilespmem:$0x1E4B0] =	vst v63  }
0x79: {  	_ =	swait.ge [sflag:s22], $0x4000  }
0x7a: {  	p1 =	seq.s32 s25, $0x17400;
	[sflag:s22] =	ssyncset.done $0x0  }
.Ltmp2:
0x7b: {  	[sflag:s22] =	ssyncadd.s32 $0xFFFFC000;
	(pc) =	sbr.rel @p1 .LBB2_4-.Ltmp2, $4  }
0x7c: {  	_ =	swait.ge [sflag:s22], $0x4000  }
0x7d: {  	[sflag:s22] =	ssyncset.done $0x0  }
0x7e: {  	[sflag:s22] =	ssyncadd.s32 $0xFFFFC000  }
0x7f: {  	[hbm4b:s12+s2] =	stream.linear.scatter [tilespmem:s24], [sflag:$0x4], $0x8000, $0x38;
	[tilespmem:$0x1E4B0] =	vst v63  }
0x80: {  	_ =	swait.ge [sflag:s31], $0x8000  }
.Ltmp3:
0x81: {  	s3 =	sadd.s32 $0x700, s18;
	[sflag:s31] =	ssyncset.done $0x0;
	(pc) =	sbr.rel .LBB2_2-.Ltmp3, $4  }
0x82: {  	s18 =	sadd.s32 $0x780, s18;
	s10 =	sadd.s32 $0x3000, s10;
	[sflag:s31] =	ssyncadd.s32 $0xFFFF8000  }
0x83: {  	[tilespmem:s19], [sflag:$0x1] =	stream.indirect.gather [spmem:s1], $0x80, s3, s15, $0xb8;
	[tilespmem:$0x1E4B0] =	vst v63  }
0x84: {  	s11 =	sadd.s32 $0x3000, s11;
	s12 =	sadd.s32 $0x3000, s12;
	s25 =	sadd.s32 $0xC00, s25  }
0x85: {  	[tilespmem:s21], [sflag:$0x1] =	stream.indirect.gather [spmem:s1], $0x80, s18, s15, $0xb8;
	[tilespmem:$0x1E4B0] =	vst v63  }
.LBB2_5:
0x86: {  	_ =	sfence.sel $0x180000  }
0x87: {  	[bflag:$0x0] =	sbarrier.arrive $0xFFFF  }
0x88: {  	_ =	strace $0x90000047  }
0x89: {  	[bflag:$0x2] =	sbarrier.arrive $0xFFFF  }
0x8a: {  	s0 =	rddreg [dreg:$0x3]  }
0x8b: {  	s0 =	sadd.s32 @!p0 $0x100000, s0  }
0x8c: {  	[sflag:s0] =	ssyncadd.tile.s32 @!p0 $0x1;
	_ =	shalt  }
.Lfunc_end2:
_tile_overlayer_lowered:
.L_overlay_start_2:
0x8d: {  	(tag) =	ssettag $0x2  }
0x8e: {  	s0 =	rddreg [dreg:$0x0];
	s2 =	stileid.u32  }
0x8f: {  	s1 =	rddreg [dreg:$0x1];
	p0 =	sne.s32 s2, $0x0  }
0x90: {  	s3 =	rddreg [dreg:$0x2];
	[bflag:$0x3] =	sbarrier.arrive $0xFFFF;
	s2 =	simm.s32 @!p0 $0x1C05  }
0x91: {  	[timem:s3], [sflag:s2] =	dma.local @!p0 [hbm:s0], s1  }
0x92: {  	s0 =	simm.s32 @!p0 $0x5  }
0x93: {  	_ =	swait.ge @!p0 [sflag:s0], s1  }
0x94: {  	s1 =	ssub.s32 @!p0 $0x0, s1;
	[sflag:s0] =	ssyncset.done @!p0 $0x0  }
0x95: {  	[sflag:s0] =	ssyncadd.s32 @!p0 s1  }
0x96: {  	[bflag:$0x3] =	sbarrier.arrive $0xFFFF  }
0x97: {  	_ =	shalt  }

</sc_bundles>
